<compile_context>
chip_gen: v7x
topology: tpu7x:2x2x1
jax: 0.10.2.dev20260603
libtpu: 0.0.44.dev20260713+nightly
codegen_flags: <defaults>
</compile_context>

<pallas_src>
import functools

import jax
import jax.numpy as jnp
from jax import lax
from jax.experimental import pallas as pl
from jax.experimental.pallas import tpu as pltpu
from jax.experimental.pallas import tpu_sc as plsc

N_NODES = 10000
N_EDGES = 320000
H = 8
D = 16
HD = H * D
NEG_SLOPE = 0.2

NC = 2
NS = 16
NW = NC * NS
EDGE_BLK = 80
EDGE_ROWS = N_EDGES // EDGE_BLK
ROWS_PER_W = EDGE_ROWS // NW
NODES_PER_TILE = N_NODES // NS
ZCHUNK = 125


def _prep_body(feat_ref, w_ref, out_ref):
    out_ref[...] = jnp.dot(feat_ref[...], w_ref[...],
                           preferred_element_type=jnp.float32)


def _prep(feat, w):
    blk = 1000
    return pl.pallas_call(
        _prep_body,
        grid=(N_NODES // blk,),
        in_specs=[
            pl.BlockSpec((blk, HD), lambda i: (i, 0)),
            pl.BlockSpec((HD, 2 * D), lambda i: (0, 0)),
        ],
        out_specs=pl.BlockSpec((blk, 2 * D), lambda i: (i, 0)),
        out_shape=jax.ShapeDtypeStruct((N_NODES, 2 * D), jnp.float32),
    )(feat, w)


def _edge_body(el_hbm, er_hbm, feat_hbm, src_hbm, dst_hbm,
               rst_out, esum_out,
               src_v, dst_v, elg, erg, featg, msg,
               rst_acc, esum_acc, sem0, sem1, sem2):
    cid = lax.axis_index("c")
    sid = lax.axis_index("s")
    wid = sid * NC + cid

    zero16 = jnp.zeros((16,), jnp.float32)

    def zloop(i, carry):
        for k8 in range(HD // 16):
            msg[i, pl.ds(k8 * 16, 16)] = zero16
        elg[i, :] = zero16
        return carry

    lax.fori_loop(0, EDGE_BLK, zloop, 0)
    row0 = sid * NODES_PER_TILE
    for t in range(NODES_PER_TILE // EDGE_BLK):
        pltpu.sync_copy(msg, rst_acc.at[pl.ds(row0 + t * EDGE_BLK, EDGE_BLK), :])
        pltpu.sync_copy(elg, esum_acc.at[pl.ds(row0 + t * EDGE_BLK, EDGE_BLK), :])
    rem = NODES_PER_TILE % EDGE_BLK
    if rem:
        rbase = row0 + (NODES_PER_TILE // EDGE_BLK) * EDGE_BLK
        pltpu.sync_copy(msg.at[pl.ds(0, rem), :],
                        rst_acc.at[pl.ds(rbase, rem), :])
        pltpu.sync_copy(elg.at[pl.ds(0, rem), :],
                        esum_acc.at[pl.ds(rbase, rem), :])

    plsc.subcore_barrier()

    def eloop(r, carry):
        row = wid * ROWS_PER_W + r
        pltpu.sync_copy(src_hbm.at[row], src_v)
        pltpu.sync_copy(dst_hbm.at[row], dst_v)
        pltpu.async_copy(el_hbm.at[src_v], elg, sem0).wait()
        pltpu.async_copy(er_hbm.at[dst_v], erg, sem1).wait()
        pltpu.async_copy(feat_hbm.at[src_v], featg, sem2).wait()

        def jloop(j, c2):
            ev = elg[j, :] + erg[j, :]
            ev = jnp.where(ev >= 0.0, ev, ev * NEG_SLOPE)
            ee = jnp.exp(ev)
            elg[j, :] = ee
            for h in range(H):
                eev = jnp.full((16,), ee[h], jnp.float32)
                fv = featg[j, pl.ds(h * 16, 16)]
                msg[j, pl.ds(h * 16, 16)] = fv * eev
            return c2

        lax.fori_loop(0, EDGE_BLK, jloop, 0)
        pltpu.sync_copy(elg, esum_acc.at[dst_v], add=True)
        pltpu.sync_copy(msg, rst_acc.at[dst_v], add=True)
        return carry

    lax.fori_loop(0, ROWS_PER_W, eloop, 0)

    plsc.subcore_barrier()

    for t in range(NODES_PER_TILE // ZCHUNK):
        base = sid * NODES_PER_TILE + t * ZCHUNK
        pltpu.sync_copy(rst_acc.at[pl.ds(base, ZCHUNK), :],
                        rst_out.at[cid, pl.ds(base, ZCHUNK), :])
        pltpu.sync_copy(esum_acc.at[pl.ds(base, ZCHUNK), :],
                        esum_out.at[cid, pl.ds(base, ZCHUNK), :])


_edge_kernel = pl.kernel(
    _edge_body,
    out_type=[
        jax.ShapeDtypeStruct((NC, N_NODES, HD), jnp.float32),
        jax.ShapeDtypeStruct((NC, N_NODES, 16), jnp.float32),
    ],
    mesh=plsc.VectorSubcoreMesh(core_axis_name="c", subcore_axis_name="s"),
    compiler_params=pltpu.CompilerParams(use_tc_tiling_on_sc=False),
    scratch_types=[
        pltpu.VMEM((EDGE_BLK,), jnp.int32),
        pltpu.VMEM((EDGE_BLK,), jnp.int32),
        pltpu.VMEM((EDGE_BLK, 16), jnp.float32),
        pltpu.VMEM((EDGE_BLK, 16), jnp.float32),
        pltpu.VMEM((EDGE_BLK, HD), jnp.float32),
        pltpu.VMEM((EDGE_BLK, HD), jnp.float32),
        pltpu.VMEM_SHARED((N_NODES, HD), jnp.float32),
        pltpu.VMEM_SHARED((N_NODES, 16), jnp.float32),
        pltpu.SemaphoreType.DMA,
        pltpu.SemaphoreType.DMA,
        pltpu.SemaphoreType.DMA,
    ],
)


def _final_body(rp_ref, sp_ref, ex_ref, out_ref):
    r = rp_ref[0] + rp_ref[1]
    s = sp_ref[0] + sp_ref[1]
    den = jnp.dot(s, ex_ref[...], preferred_element_type=jnp.float32)
    out_ref[...] = r / (den + 1e-16)


def _final(rst_parts, esum_parts, expand):
    blk = 1000
    return pl.pallas_call(
        _final_body,
        grid=(N_NODES // blk,),
        in_specs=[
            pl.BlockSpec((NC, blk, HD), lambda i: (0, i, 0)),
            pl.BlockSpec((NC, blk, 16), lambda i: (0, i, 0)),
            pl.BlockSpec((16, HD), lambda i: (0, 0)),
        ],
        out_specs=pl.BlockSpec((blk, HD), lambda i: (i, 0)),
        out_shape=jax.ShapeDtypeStruct((N_NODES, HD), jnp.float32),
    )(rst_parts, esum_parts, expand)


def kernel(feat, edge_index, attn_l, attn_r):
    feat = feat.astype(jnp.float32)
    src = edge_index[0].astype(jnp.int32).reshape(EDGE_ROWS, EDGE_BLK)
    dst = edge_index[1].astype(jnp.int32).reshape(EDGE_ROWS, EDGE_BLK)

    al = attn_l.reshape(H, D).astype(jnp.float32)
    ar = attn_r.reshape(H, D).astype(jnp.float32)
    eye = jnp.eye(H, dtype=jnp.float32)
    wl = (eye[:, None, :] * al[:, :, None]).reshape(HD, H)
    wr = (eye[:, None, :] * ar[:, :, None]).reshape(HD, H)
    pad = jnp.zeros((HD, 16 - H), jnp.float32)
    w = jnp.concatenate([wl, pad, wr, pad], axis=1)

    tabs = _prep(feat, w)
    el_tab = jnp.asarray(tabs[:, :16])
    er_tab = jnp.asarray(tabs[:, 16:])

    rst_parts, esum_parts = _edge_kernel(el_tab, er_tab, feat, src, dst)

    expand = (eye[:, :, None] * jnp.ones((1, 1, D), jnp.float32)).reshape(H, HD)
    expand = jnp.concatenate([expand, jnp.zeros((16 - H, HD), jnp.float32)],
                             axis=0)

    out = _final(rst_parts, esum_parts, expand)
    return out.reshape(N_NODES, H, D)

# --- scband reference (transcript-rebuilt; emitter-appended) ---
"""Pipeline reference for scband-gatconv-37254546325571 (READ-ONLY COPY).

The authoritative reference and input builder live on the scoring server;
editing this copy changes nothing except your own understanding.
"""

import jax, jax.numpy as jnp
import numpy as np

N_NODES = 10000
N_EDGES = 320000
NUM_HEADS = 8
IN_SIZE = 16
NEG_SLOPE = 0.2


def setup_inputs(seed: int = 0) -> dict:
    key = jax.random.key(seed)
    k1, k2, k3, k4 = jax.random.split(key, 4)
    feat = jax.random.normal(k1, (N_NODES, NUM_HEADS * IN_SIZE), dtype=jnp.float32)
    edge_index = jax.random.randint(k2, (2, N_EDGES), 0, N_NODES, dtype=jnp.int64)
    # xavier_normal_ with gain=1.414 on shape (1, H, D): std = gain*sqrt(2/(fan_in+fan_out))
    fan_in, fan_out = IN_SIZE, NUM_HEADS  # torch computes fans on last two dims
    std = 1.414 * np.sqrt(2.0 / (fan_in + fan_out))
    attn_l = jax.random.normal(k3, (1, NUM_HEADS, IN_SIZE), dtype=jnp.float32) * std
    attn_r = jax.random.normal(k4, (1, NUM_HEADS, IN_SIZE), dtype=jnp.float32) * std
    return {"feat": feat, "edge_index": edge_index, "attn_l": attn_l, "attn_r": attn_r}


def reference(feat, edge_index, attn_l, attn_r):
    # feat: [N, H*D] -> h: [N, H, D]
    h = feat.reshape(-1, NUM_HEADS, IN_SIZE)
    N = h.shape[0]
    # per-node attention logits
    el = (h * attn_l).sum(axis=-1)  # [N, H]
    er = (h * attn_r).sum(axis=-1)  # [N, H]
    src = edge_index[0]
    dst = edge_index[1]
    # u_add_v then leaky_relu -> per-edge logits [E, H]
    e = jax.nn.leaky_relu(el[src] + er[dst], negative_slope=NEG_SLOPE)
    # edge_softmax: softmax over incoming edges of each dst node
    emax = jax.ops.segment_max(e, dst, num_segments=N)
    emax = jnp.where(jnp.isfinite(emax), emax, 0.0)
    ee = jnp.exp(e - emax[dst])
    esum = jax.ops.segment_sum(ee, dst, num_segments=N)
    a = ee / (esum[dst] + 1e-16)  # [E, H]
    # u_mul_e then sum -> aggregate messages at dst
    m = h[src] * a[:, :, None]  # [E, H, D]
    rst = jax.ops.segment_sum(m, dst, num_segments=N)  # [N, H, D]
    return rst

if __name__ == "__main__":
    import jax
    _d = setup_inputs()
    print(jax.jit(kernel)(*tuple(_d.values())))

</pallas_src>

<mosaic_0001>
#map = affine_map<(d0, d1) -> (0, 0)>
#map1 = affine_map<(d0, d1) -> (0, 0, 0)>
module attributes {stable_mosaic.version = 14 : i64} {
  func.func @_edge_body(%arg0: i32, %arg1: i32, %arg2: memref<10000x16xf32, #tpu.memory_space<hbm>>, %arg3: memref<10000x16xf32, #tpu.memory_space<hbm>>, %arg4: memref<10000x128xf32, #tpu.memory_space<hbm>>, %arg5: memref<4000x80xi32, #tpu.memory_space<hbm>>, %arg6: memref<4000x80xi32, #tpu.memory_space<hbm>>, %arg7: memref<2x10000x128xf32, #tpu.memory_space<hbm>>, %arg8: memref<2x10000x16xf32, #tpu.memory_space<hbm>>, %arg9: memref<80xi32, #tpu.memory_space<vmem>>, %arg10: memref<80xi32, #tpu.memory_space<vmem>>, %arg11: memref<80x16xf32, #tpu.memory_space<vmem>>, %arg12: memref<80x16xf32, #tpu.memory_space<vmem>>, %arg13: memref<80x128xf32, #tpu.memory_space<vmem>>, %arg14: memref<80x128xf32, #tpu.memory_space<vmem>>, %arg15: memref<10000x128xf32, #tpu.memory_space<vmem_shared>>, %arg16: memref<10000x16xf32, #tpu.memory_space<vmem_shared>>, %arg17: memref<!tpu.dma_semaphore, #tpu.memory_space<semaphore_mem>>, %arg18: memref<!tpu.dma_semaphore, #tpu.memory_space<semaphore_mem>>, %arg19: memref<!tpu.dma_semaphore, #tpu.memory_space<semaphore_mem>>) attributes {dimension_semantics = [#tpu.dimension_semantics<core_parallel>, #tpu.dimension_semantics<subcore_parallel>], iteration_bounds = array<i64: 2, 16>, scalar_prefetch = 0 : i64, scratch_operands = 11 : i64, tpu.core_type = #tpu.core_type<sc_vector_subcore>, window_params = [{transform_indices = #map}, {transform_indices = #map}, {transform_indices = #map}, {transform_indices = #map}, {transform_indices = #map}, {transform_indices = #map1}, {transform_indices = #map1}]} {
    %mul3A = arith.constant 2 : i32
    %mul3A_0 = arith.muli %arg1, %mul3A : i32
    %add3A = arith.addi %mul3A_0, %arg0 : i32
    %broadcast_in_dim3A = arith.constant 0.000000e+00 : f32
    %broadcast_in_dim3A_1 = vector.broadcast %broadcast_in_dim3A : f32 to vector<16xf32>
    %scan3A = arith.constant 0 : i32
    %scan3A_2 = arith.constant 0 : i32
    %scan3A_3 = arith.constant 80 : i32
    %scan3A_4 = arith.addi %scan3A_2, %scan3A_3 : i32
    %scan3A_5 = arith.constant 1 : i32
    scf.for %scan3A_66 = %scan3A_2 to %scan3A_4 step %scan3A_5  : i32 {
      %swap3A = arith.index_cast %scan3A_66 : i32 to index
      %swap3A_67 = arith.constant 0 : index
      %swap3A_68 = tpu.vector_load %arg14[%swap3A, %swap3A_67] {strides = array<i32>} : memref<80x128xf32, #tpu.memory_space<vmem>>, vector<1x16xf32>,
      %swap3A_69 = vector.shape_cast %swap3A_68 : vector<1x16xf32> to vector<16xf32>
      %swap3A_70 = vector.shape_cast %broadcast_in_dim3A_1 : vector<16xf32> to vector<1x16xf32>
      tpu.vector_store %arg14[%swap3A, %swap3A_67], %swap3A_70 {strides = array<i32>} : memref<80x128xf32, #tpu.memory_space<vmem>>, vector<1x16xf32>,
      %swap3A_71 = arith.index_cast %scan3A_66 : i32 to index
      %swap3A_72 = arith.constant 16 : index
      %swap3A_73 = tpu.vector_load %arg14[%swap3A_71, %swap3A_72] {strides = array<i32>} : memref<80x128xf32, #tpu.memory_space<vmem>>, vector<1x16xf32>,
      %swap3A_74 = vector.shape_cast %swap3A_73 : vector<1x16xf32> to vector<16xf32>
      %swap3A_75 = vector.shape_cast %broadcast_in_dim3A_1 : vector<16xf32> to vector<1x16xf32>
      tpu.vector_store %arg14[%swap3A_71, %swap3A_72], %swap3A_75 {strides = array<i32>} : memref<80x128xf32, #tpu.memory_space<vmem>>, vector<1x16xf32>,
      %swap3A_76 = arith.index_cast %scan3A_66 : i32 to index
      %swap3A_77 = arith.constant 32 : index
      %swap3A_78 = tpu.vector_load %arg14[%swap3A_76, %swap3A_77] {strides = array<i32>} : memref<80x128xf32, #tpu.memory_space<vmem>>, vector<1x16xf32>,
      %swap3A_79 = vector.shape_cast %swap3A_78 : vector<1x16xf32> to vector<16xf32>
      %swap3A_80 = vector.shape_cast %broadcast_in_dim3A_1 : vector<16xf32> to vector<1x16xf32>
      tpu.vector_store %arg14[%swap3A_76, %swap3A_77], %swap3A_80 {strides = array<i32>} : memref<80x128xf32, #tpu.memory_space<vmem>>, vector<1x16xf32>,
      %swap3A_81 = arith.index_cast %scan3A_66 : i32 to index
      %swap3A_82 = arith.constant 48 : index
      %swap3A_83 = tpu.vector_load %arg14[%swap3A_81, %swap3A_82] {strides = array<i32>} : memref<80x128xf32, #tpu.memory_space<vmem>>, vector<1x16xf32>,
      %swap3A_84 = vector.shape_cast %swap3A_83 : vector<1x16xf32> to vector<16xf32>
      %swap3A_85 = vector.shape_cast %broadcast_in_dim3A_1 : vector<16xf32> to vector<1x16xf32>
      tpu.vector_store %arg14[%swap3A_81, %swap3A_82], %swap3A_85 {strides = array<i32>} : memref<80x128xf32, #tpu.memory_space<vmem>>, vector<1x16xf32>,
      %swap3A_86 = arith.index_cast %scan3A_66 : i32 to index
      %swap3A_87 = arith.constant 64 : index
      %swap3A_88 = tpu.vector_load %arg14[%swap3A_86, %swap3A_87] {strides = array<i32>} : memref<80x128xf32, #tpu.memory_space<vmem>>, vector<1x16xf32>,
      %swap3A_89 = vector.shape_cast %swap3A_88 : vector<1x16xf32> to vector<16xf32>
      %swap3A_90 = vector.shape_cast %broadcast_in_dim3A_1 : vector<16xf32> to vector<1x16xf32>
      tpu.vector_store %arg14[%swap3A_86, %swap3A_87], %swap3A_90 {strides = array<i32>} : memref<80x128xf32, #tpu.memory_space<vmem>>, vector<1x16xf32>,
      %swap3A_91 = arith.index_cast %scan3A_66 : i32 to index
      %swap3A_92 = arith.constant 80 : index
      %swap3A_93 = tpu.vector_load %arg14[%swap3A_91, %swap3A_92] {strides = array<i32>} : memref<80x128xf32, #tpu.memory_space<vmem>>, vector<1x16xf32>,
      %swap3A_94 = vector.shape_cast %swap3A_93 : vector<1x16xf32> to vector<16xf32>
      %swap3A_95 = vector.shape_cast %broadcast_in_dim3A_1 : vector<16xf32> to vector<1x16xf32>
      tpu.vector_store %arg14[%swap3A_91, %swap3A_92], %swap3A_95 {strides = array<i32>} : memref<80x128xf32, #tpu.memory_space<vmem>>, vector<1x16xf32>,
      %swap3A_96 = arith.index_cast %scan3A_66 : i32 to index
      %swap3A_97 = arith.constant 96 : index
      %swap3A_98 = tpu.vector_load %arg14[%swap3A_96, %swap3A_97] {strides = array<i32>} : memref<80x128xf32, #tpu.memory_space<vmem>>, vector<1x16xf32>,
      %swap3A_99 = vector.shape_cast %swap3A_98 : vector<1x16xf32> to vector<16xf32>
      %swap3A_100 = vector.shape_cast %broadcast_in_dim3A_1 : vector<16xf32> to vector<1x16xf32>
      tpu.vector_store %arg14[%swap3A_96, %swap3A_97], %swap3A_100 {strides = array<i32>} : memref<80x128xf32, #tpu.memory_space<vmem>>, vector<1x16xf32>,
      %swap3A_101 = arith.index_cast %scan3A_66 : i32 to index
      %swap3A_102 = arith.constant 112 : index
      %swap3A_103 = tpu.vector_load %arg14[%swap3A_101, %swap3A_102] {strides = array<i32>} : memref<80x128xf32, #tpu.memory_space<vmem>>, vector<1x16xf32>,
      %swap3A_104 = vector.shape_cast %swap3A_103 : vector<1x16xf32> to vector<16xf32>
      %swap3A_105 = vector.shape_cast %broadcast_in_dim3A_1 : vector<16xf32> to vector<1x16xf32>
      tpu.vector_store %arg14[%swap3A_101, %swap3A_102], %swap3A_105 {strides = array<i32>} : memref<80x128xf32, #tpu.memory_space<vmem>>, vector<1x16xf32>,
      %swap3A_106 = arith.index_cast %scan3A_66 : i32 to index
      %swap3A_107 = arith.constant 0 : index
      %swap3A_108 = tpu.vector_load %arg11[%swap3A_106, %swap3A_107] {strides = array<i32>} : memref<80x16xf32, #tpu.memory_space<vmem>>, vector<1x16xf32>,
      %swap3A_109 = vector.shape_cast %swap3A_108 : vector<1x16xf32> to vector<16xf32>
      %swap3A_110 = vector.shape_cast %broadcast_in_dim3A_1 : vector<16xf32> to vector<1x16xf32>
      tpu.vector_store %arg11[%swap3A_106, %swap3A_107], %swap3A_110 {strides = array<i32>} : memref<80x16xf32, #tpu.memory_space<vmem>>, vector<1x16xf32>,
    }
    %scan3A_6 = arith.constant 80 : i32
    %mul3A_7 = arith.constant 625 : i32
    %mul3A_8 = arith.muli %arg1, %mul3A_7 : i32
    %add3A_9 = arith.constant 0 : i32
    %add3A_10 = arith.addi %mul3A_8, %add3A_9 : i32
    "tpu.region"() ({
      %run_scoped3A = tpu.sem_alloc : memref<!tpu.dma_semaphore, #tpu.memory_space<semaphore_mem>>
      %dma_start3A = arith.constant 0 : i32
      %dma_start3A_66 = tpu.memref_slice %arg15[%add3A_10, %dma_start3A] : memref<10000x128xf32, #tpu.memory_space<vmem_shared>> -> memref<80x128xf32, #tpu.memory_space<vmem_shared>>
      %dma_start3A_67 = arith.constant 0 : i32
      %dma_start3A_68 = tpu.memref_slice %arg15[%add3A_10, %dma_start3A_67] : memref<10000x128xf32, #tpu.memory_space<vmem_shared>> -> memref<80x128xf32, #tpu.memory_space<vmem_shared>>
      tpu.enqueue_dma source(%arg14 : memref<80x128xf32, #tpu.memory_space<vmem>>) target(%dma_start3A_68 : memref<80x128xf32, #tpu.memory_space<vmem_shared>>) target_semaphore(%run_scoped3A : memref<!tpu.dma_semaphore, #tpu.memory_space<semaphore_mem>>)
      %dma_wait3A = arith.constant 0 : i32
      %dma_wait3A_69 = tpu.memref_slice %arg15[%add3A_10, %dma_wait3A] : memref<10000x128xf32, #tpu.memory_space<vmem_shared>> -> memref<80x128xf32, #tpu.memory_space<vmem_shared>>
      %dma_wait3A_70 = arith.constant 0 : i32
      %dma_wait3A_71 = tpu.memref_slice %arg15[%add3A_10, %dma_wait3A_70] : memref<10000x128xf32, #tpu.memory_space<vmem_shared>> -> memref<80x128xf32, #tpu.memory_space<vmem_shared>>
      tpu.wait_dma2 semaphore(%run_scoped3A : memref<!tpu.dma_semaphore, #tpu.memory_space<semaphore_mem>>) src(%arg14 : memref<80x128xf32, #tpu.memory_space<vmem>>) dst(%dma_wait3A_71 : memref<80x128xf32, #tpu.memory_space<vmem_shared>>)
      tpu.yield
    }) : () -> ()
    %add3A_11 = arith.constant 0 : i32
    %add3A_12 = arith.addi %mul3A_8, %add3A_11 : i32
    "tpu.region"() ({
      %run_scoped3A = tpu.sem_alloc : memref<!tpu.dma_semaphore, #tpu.memory_space<semaphore_mem>>
      %dma_start3A = arith.constant 0 : i32
      %dma_start3A_66 = tpu.memref_slice %arg16[%add3A_12, %dma_start3A] : memref<10000x16xf32, #tpu.memory_space<vmem_shared>> -> memref<80x16xf32, #tpu.memory_space<vmem_shared>>
      %dma_start3A_67 = arith.constant 0 : i32
      %dma_start3A_68 = tpu.memref_slice %arg16[%add3A_12, %dma_start3A_67] : memref<10000x16xf32, #tpu.memory_space<vmem_shared>> -> memref<80x16xf32, #tpu.memory_space<vmem_shared>>
      tpu.enqueue_dma source(%arg11 : memref<80x16xf32, #tpu.memory_space<vmem>>) target(%dma_start3A_68 : memref<80x16xf32, #tpu.memory_space<vmem_shared>>) target_semaphore(%run_scoped3A : memref<!tpu.dma_semaphore, #tpu.memory_space<semaphore_mem>>)
      %dma_wait3A = arith.constant 0 : i32
      %dma_wait3A_69 = tpu.memref_slice %arg16[%add3A_12, %dma_wait3A] : memref<10000x16xf32, #tpu.memory_space<vmem_shared>> -> memref<80x16xf32, #tpu.memory_space<vmem_shared>>
      %dma_wait3A_70 = arith.constant 0 : i32
      %dma_wait3A_71 = tpu.memref_slice %arg16[%add3A_12, %dma_wait3A_70] : memref<10000x16xf32, #tpu.memory_space<vmem_shared>> -> memref<80x16xf32, #tpu.memory_space<vmem_shared>>
      tpu.wait_dma2 semaphore(%run_scoped3A : memref<!tpu.dma_semaphore, #tpu.memory_space<semaphore_mem>>) src(%arg11 : memref<80x16xf32, #tpu.memory_space<vmem>>) dst(%dma_wait3A_71 : memref<80x16xf32, #tpu.memory_space<vmem_shared>>)
      tpu.yield
    }) : () -> ()
    %add3A_13 = arith.constant 80 : i32
    %add3A_14 = arith.addi %mul3A_8, %add3A_13 : i32
    "tpu.region"() ({
      %run_scoped3A = tpu.sem_alloc : memref<!tpu.dma_semaphore, #tpu.memory_space<semaphore_mem>>
      %dma_start3A = arith.constant 0 : i32
      %dma_start3A_66 = tpu.memref_slice %arg15[%add3A_14, %dma_start3A] : memref<10000x128xf32, #tpu.memory_space<vmem_shared>> -> memref<80x128xf32, #tpu.memory_space<vmem_shared>>
      %dma_start3A_67 = arith.constant 0 : i32
      %dma_start3A_68 = tpu.memref_slice %arg15[%add3A_14, %dma_start3A_67] : memref<10000x128xf32, #tpu.memory_space<vmem_shared>> -> memref<80x128xf32, #tpu.memory_space<vmem_shared>>
      tpu.enqueue_dma source(%arg14 : memref<80x128xf32, #tpu.memory_space<vmem>>) target(%dma_start3A_68 : memref<80x128xf32, #tpu.memory_space<vmem_shared>>) target_semaphore(%run_scoped3A : memref<!tpu.dma_semaphore, #tpu.memory_space<semaphore_mem>>)
      %dma_wait3A = arith.constant 0 : i32
      %dma_wait3A_69 = tpu.memref_slice %arg15[%add3A_14, %dma_wait3A] : memref<10000x128xf32, #tpu.memory_space<vmem_shared>> -> memref<80x128xf32, #tpu.memory_space<vmem_shared>>
      %dma_wait3A_70 = arith.constant 0 : i32
      %dma_wait3A_71 = tpu.memref_slice %arg15[%add3A_14, %dma_wait3A_70] : memref<10000x128xf32, #tpu.memory_space<vmem_shared>> -> memref<80x128xf32, #tpu.memory_space<vmem_shared>>
      tpu.wait_dma2 semaphore(%run_scoped3A : memref<!tpu.dma_semaphore, #tpu.memory_space<semaphore_mem>>) src(%arg14 : memref<80x128xf32, #tpu.memory_space<vmem>>) dst(%dma_wait3A_71 : memref<80x128xf32, #tpu.memory_space<vmem_shared>>)
      tpu.yield
    }) : () -> ()
    %add3A_15 = arith.constant 80 : i32
    %add3A_16 = arith.addi %mul3A_8, %add3A_15 : i32
    "tpu.region"() ({
      %run_scoped3A = tpu.sem_alloc : memref<!tpu.dma_semaphore, #tpu.memory_space<semaphore_mem>>
      %dma_start3A = arith.constant 0 : i32
      %dma_start3A_66 = tpu.memref_slice %arg16[%add3A_16, %dma_start3A] : memref<10000x16xf32, #tpu.memory_space<vmem_shared>> -> memref<80x16xf32, #tpu.memory_space<vmem_shared>>
      %dma_start3A_67 = arith.constant 0 : i32
      %dma_start3A_68 = tpu.memref_slice %arg16[%add3A_16, %dma_start3A_67] : memref<10000x16xf32, #tpu.memory_space<vmem_shared>> -> memref<80x16xf32, #tpu.memory_space<vmem_shared>>
      tpu.enqueue_dma source(%arg11 : memref<80x16xf32, #tpu.memory_space<vmem>>) target(%dma_start3A_68 : memref<80x16xf32, #tpu.memory_space<vmem_shared>>) target_semaphore(%run_scoped3A : memref<!tpu.dma_semaphore, #tpu.memory_space<semaphore_mem>>)
      %dma_wait3A = arith.constant 0 : i32
      %dma_wait3A_69 = tpu.memref_slice %arg16[%add3A_16, %dma_wait3A] : memref<10000x16xf32, #tpu.memory_space<vmem_shared>> -> memref<80x16xf32, #tpu.memory_space<vmem_shared>>
      %dma_wait3A_70 = arith.constant 0 : i32
      %dma_wait3A_71 = tpu.memref_slice %arg16[%add3A_16, %dma_wait3A_70] : memref<10000x16xf32, #tpu.memory_space<vmem_shared>> -> memref<80x16xf32, #tpu.memory_space<vmem_shared>>
      tpu.wait_dma2 semaphore(%run_scoped3A : memref<!tpu.dma_semaphore, #tpu.memory_space<semaphore_mem>>) src(%arg11 : memref<80x16xf32, #tpu.memory_space<vmem>>) dst(%dma_wait3A_71 : memref<80x16xf32, #tpu.memory_space<vmem_shared>>)
      tpu.yield
    }) : () -> ()
    %add3A_17 = arith.constant 160 : i32
    %add3A_18 = arith.addi %mul3A_8, %add3A_17 : i32
    "tpu.region"() ({
      %run_scoped3A = tpu.sem_alloc : memref<!tpu.dma_semaphore, #tpu.memory_space<semaphore_mem>>
      %dma_start3A = arith.constant 0 : i32
      %dma_start3A_66 = tpu.memref_slice %arg15[%add3A_18, %dma_start3A] : memref<10000x128xf32, #tpu.memory_space<vmem_shared>> -> memref<80x128xf32, #tpu.memory_space<vmem_shared>>
      %dma_start3A_67 = arith.constant 0 : i32
      %dma_start3A_68 = tpu.memref_slice %arg15[%add3A_18, %dma_start3A_67] : memref<10000x128xf32, #tpu.memory_space<vmem_shared>> -> memref<80x128xf32, #tpu.memory_space<vmem_shared>>
      tpu.enqueue_dma source(%arg14 : memref<80x128xf32, #tpu.memory_space<vmem>>) target(%dma_start3A_68 : memref<80x128xf32, #tpu.memory_space<vmem_shared>>) target_semaphore(%run_scoped3A : memref<!tpu.dma_semaphore, #tpu.memory_space<semaphore_mem>>)
      %dma_wait3A = arith.constant 0 : i32
      %dma_wait3A_69 = tpu.memref_slice %arg15[%add3A_18, %dma_wait3A] : memref<10000x128xf32, #tpu.memory_space<vmem_shared>> -> memref<80x128xf32, #tpu.memory_space<vmem_shared>>
      %dma_wait3A_70 = arith.constant 0 : i32
      %dma_wait3A_71 = tpu.memref_slice %arg15[%add3A_18, %dma_wait3A_70] : memref<10000x128xf32, #tpu.memory_space<vmem_shared>> -> memref<80x128xf32, #tpu.memory_space<vmem_shared>>
      tpu.wait_dma2 semaphore(%run_scoped3A : memref<!tpu.dma_semaphore, #tpu.memory_space<semaphore_mem>>) src(%arg14 : memref<80x128xf32, #tpu.memory_space<vmem>>) dst(%dma_wait3A_71 : memref<80x128xf32, #tpu.memory_space<vmem_shared>>)
      tpu.yield
    }) : () -> ()
    %add3A_19 = arith.constant 160 : i32
    %add3A_20 = arith.addi %mul3A_8, %add3A_19 : i32
    "tpu.region"() ({
      %run_scoped3A = tpu.sem_alloc : memref<!tpu.dma_semaphore, #tpu.memory_space<semaphore_mem>>
      %dma_start3A = arith.constant 0 : i32
      %dma_start3A_66 = tpu.memref_slice %arg16[%add3A_20, %dma_start3A] : memref<10000x16xf32, #tpu.memory_space<vmem_shared>> -> memref<80x16xf32, #tpu.memory_space<vmem_shared>>
      %dma_start3A_67 = arith.constant 0 : i32
      %dma_start3A_68 = tpu.memref_slice %arg16[%add3A_20, %dma_start3A_67] : memref<10000x16xf32, #tpu.memory_space<vmem_shared>> -> memref<80x16xf32, #tpu.memory_space<vmem_shared>>
      tpu.enqueue_dma source(%arg11 : memref<80x16xf32, #tpu.memory_space<vmem>>) target(%dma_start3A_68 : memref<80x16xf32, #tpu.memory_space<vmem_shared>>) target_semaphore(%run_scoped3A : memref<!tpu.dma_semaphore, #tpu.memory_space<semaphore_mem>>)
      %dma_wait3A = arith.constant 0 : i32
      %dma_wait3A_69 = tpu.memref_slice %arg16[%add3A_20, %dma_wait3A] : memref<10000x16xf32, #tpu.memory_space<vmem_shared>> -> memref<80x16xf32, #tpu.memory_space<vmem_shared>>
      %dma_wait3A_70 = arith.constant 0 : i32
      %dma_wait3A_71 = tpu.memref_slice %arg16[%add3A_20, %dma_wait3A_70] : memref<10000x16xf32, #tpu.memory_space<vmem_shared>> -> memref<80x16xf32, #tpu.memory_space<vmem_shared>>
      tpu.wait_dma2 semaphore(%run_scoped3A : memref<!tpu.dma_semaphore, #tpu.memory_space<semaphore_mem>>) src(%arg11 : memref<80x16xf32, #tpu.memory_space<vmem>>) dst(%dma_wait3A_71 : memref<80x16xf32, #tpu.memory_space<vmem_shared>>)
      tpu.yield
    }) : () -> ()
    %add3A_21 = arith.constant 240 : i32
    %add3A_22 = arith.addi %mul3A_8, %add3A_21 : i32
    "tpu.region"() ({
      %run_scoped3A = tpu.sem_alloc : memref<!tpu.dma_semaphore, #tpu.memory_space<semaphore_mem>>
      %dma_start3A = arith.constant 0 : i32
      %dma_start3A_66 = tpu.memref_slice %arg15[%add3A_22, %dma_start3A] : memref<10000x128xf32, #tpu.memory_space<vmem_shared>> -> memref<80x128xf32, #tpu.memory_space<vmem_shared>>
      %dma_start3A_67 = arith.constant 0 : i32
      %dma_start3A_68 = tpu.memref_slice %arg15[%add3A_22, %dma_start3A_67] : memref<10000x128xf32, #tpu.memory_space<vmem_shared>> -> memref<80x128xf32, #tpu.memory_space<vmem_shared>>
      tpu.enqueue_dma source(%arg14 : memref<80x128xf32, #tpu.memory_space<vmem>>) target(%dma_start3A_68 : memref<80x128xf32, #tpu.memory_space<vmem_shared>>) target_semaphore(%run_scoped3A : memref<!tpu.dma_semaphore, #tpu.memory_space<semaphore_mem>>)
      %dma_wait3A = arith.constant 0 : i32
      %dma_wait3A_69 = tpu.memref_slice %arg15[%add3A_22, %dma_wait3A] : memref<10000x128xf32, #tpu.memory_space<vmem_shared>> -> memref<80x128xf32, #tpu.memory_space<vmem_shared>>
      %dma_wait3A_70 = arith.constant 0 : i32
      %dma_wait3A_71 = tpu.memref_slice %arg15[%add3A_22, %dma_wait3A_70] : memref<10000x128xf32, #tpu.memory_space<vmem_shared>> -> memref<80x128xf32, #tpu.memory_space<vmem_shared>>
      tpu.wait_dma2 semaphore(%run_scoped3A : memref<!tpu.dma_semaphore, #tpu.memory_space<semaphore_mem>>) src(%arg14 : memref<80x128xf32, #tpu.memory_space<vmem>>) dst(%dma_wait3A_71 : memref<80x128xf32, #tpu.memory_space<vmem_shared>>)
      tpu.yield
    }) : () -> ()
    %add3A_23 = arith.constant 240 : i32
    %add3A_24 = arith.addi %mul3A_8, %add3A_23 : i32
    "tpu.region"() ({
      %run_scoped3A = tpu.sem_alloc : memref<!tpu.dma_semaphore, #tpu.memory_space<semaphore_mem>>
      %dma_start3A = arith.constant 0 : i32
      %dma_start3A_66 = tpu.memref_slice %arg16[%add3A_24, %dma_start3A] : memref<10000x16xf32, #tpu.memory_space<vmem_shared>> -> memref<80x16xf32, #tpu.memory_space<vmem_shared>>
      %dma_start3A_67 = arith.constant 0 : i32
      %dma_start3A_68 = tpu.memref_slice %arg16[%add3A_24, %dma_start3A_67] : memref<10000x16xf32, #tpu.memory_space<vmem_shared>> -> memref<80x16xf32, #tpu.memory_space<vmem_shared>>
      tpu.enqueue_dma source(%arg11 : memref<80x16xf32, #tpu.memory_space<vmem>>) target(%dma_start3A_68 : memref<80x16xf32, #tpu.memory_space<vmem_shared>>) target_semaphore(%run_scoped3A : memref<!tpu.dma_semaphore, #tpu.memory_space<semaphore_mem>>)
      %dma_wait3A = arith.constant 0 : i32
      %dma_wait3A_69 = tpu.memref_slice %arg16[%add3A_24, %dma_wait3A] : memref<10000x16xf32, #tpu.memory_space<vmem_shared>> -> memref<80x16xf32, #tpu.memory_space<vmem_shared>>
      %dma_wait3A_70 = arith.constant 0 : i32
      %dma_wait3A_71 = tpu.memref_slice %arg16[%add3A_24, %dma_wait3A_70] : memref<10000x16xf32, #tpu.memory_space<vmem_shared>> -> memref<80x16xf32, #tpu.memory_space<vmem_shared>>
      tpu.wait_dma2 semaphore(%run_scoped3A : memref<!tpu.dma_semaphore, #tpu.memory_space<semaphore_mem>>) src(%arg11 : memref<80x16xf32, #tpu.memory_space<vmem>>) dst(%dma_wait3A_71 : memref<80x16xf32, #tpu.memory_space<vmem_shared>>)
      tpu.yield
    }) : () -> ()
    %add3A_25 = arith.constant 320 : i32
    %add3A_26 = arith.addi %mul3A_8, %add3A_25 : i32
    "tpu.region"() ({
      %run_scoped3A = tpu.sem_alloc : memref<!tpu.dma_semaphore, #tpu.memory_space<semaphore_mem>>
      %dma_start3A = arith.constant 0 : i32
      %dma_start3A_66 = tpu.memref_slice %arg15[%add3A_26, %dma_start3A] : memref<10000x128xf32, #tpu.memory_space<vmem_shared>> -> memref<80x128xf32, #tpu.memory_space<vmem_shared>>
      %dma_start3A_67 = arith.constant 0 : i32
      %dma_start3A_68 = tpu.memref_slice %arg15[%add3A_26, %dma_start3A_67] : memref<10000x128xf32, #tpu.memory_space<vmem_shared>> -> memref<80x128xf32, #tpu.memory_space<vmem_shared>>
      tpu.enqueue_dma source(%arg14 : memref<80x128xf32, #tpu.memory_space<vmem>>) target(%dma_start3A_68 : memref<80x128xf32, #tpu.memory_space<vmem_shared>>) target_semaphore(%run_scoped3A : memref<!tpu.dma_semaphore, #tpu.memory_space<semaphore_mem>>)
      %dma_wait3A = arith.constant 0 : i32
      %dma_wait3A_69 = tpu.memref_slice %arg15[%add3A_26, %dma_wait3A] : memref<10000x128xf32, #tpu.memory_space<vmem_shared>> -> memref<80x128xf32, #tpu.memory_space<vmem_shared>>
      %dma_wait3A_70 = arith.constant 0 : i32
      %dma_wait3A_71 = tpu.memref_slice %arg15[%add3A_26, %dma_wait3A_70] : memref<10000x128xf32, #tpu.memory_space<vmem_shared>> -> memref<80x128xf32, #tpu.memory_space<vmem_shared>>
      tpu.wait_dma2 semaphore(%run_scoped3A : memref<!tpu.dma_semaphore, #tpu.memory_space<semaphore_mem>>) src(%arg14 : memref<80x128xf32, #tpu.memory_space<vmem>>) dst(%dma_wait3A_71 : memref<80x128xf32, #tpu.memory_space<vmem_shared>>)
      tpu.yield
    }) : () -> ()
    %add3A_27 = arith.constant 320 : i32
    %add3A_28 = arith.addi %mul3A_8, %add3A_27 : i32
    "tpu.region"() ({
      %run_scoped3A = tpu.sem_alloc : memref<!tpu.dma_semaphore, #tpu.memory_space<semaphore_mem>>
      %dma_start3A = arith.constant 0 : i32
      %dma_start3A_66 = tpu.memref_slice %arg16[%add3A_28, %dma_start3A] : memref<10000x16xf32, #tpu.memory_space<vmem_shared>> -> memref<80x16xf32, #tpu.memory_space<vmem_shared>>
      %dma_start3A_67 = arith.constant 0 : i32
      %dma_start3A_68 = tpu.memref_slice %arg16[%add3A_28, %dma_start3A_67] : memref<10000x16xf32, #tpu.memory_space<vmem_shared>> -> memref<80x16xf32, #tpu.memory_space<vmem_shared>>
      tpu.enqueue_dma source(%arg11 : memref<80x16xf32, #tpu.memory_space<vmem>>) target(%dma_start3A_68 : memref<80x16xf32, #tpu.memory_space<vmem_shared>>) target_semaphore(%run_scoped3A : memref<!tpu.dma_semaphore, #tpu.memory_space<semaphore_mem>>)
      %dma_wait3A = arith.constant 0 : i32
      %dma_wait3A_69 = tpu.memref_slice %arg16[%add3A_28, %dma_wait3A] : memref<10000x16xf32, #tpu.memory_space<vmem_shared>> -> memref<80x16xf32, #tpu.memory_space<vmem_shared>>
      %dma_wait3A_70 = arith.constant 0 : i32
      %dma_wait3A_71 = tpu.memref_slice %arg16[%add3A_28, %dma_wait3A_70] : memref<10000x16xf32, #tpu.memory_space<vmem_shared>> -> memref<80x16xf32, #tpu.memory_space<vmem_shared>>
      tpu.wait_dma2 semaphore(%run_scoped3A : memref<!tpu.dma_semaphore, #tpu.memory_space<semaphore_mem>>) src(%arg11 : memref<80x16xf32, #tpu.memory_space<vmem>>) dst(%dma_wait3A_71 : memref<80x16xf32, #tpu.memory_space<vmem_shared>>)
      tpu.yield
    }) : () -> ()
    %add3A_29 = arith.constant 400 : i32
    %add3A_30 = arith.addi %mul3A_8, %add3A_29 : i32
    "tpu.region"() ({
      %run_scoped3A = tpu.sem_alloc : memref<!tpu.dma_semaphore, #tpu.memory_space<semaphore_mem>>
      %dma_start3A = arith.constant 0 : i32
      %dma_start3A_66 = tpu.memref_slice %arg15[%add3A_30, %dma_start3A] : memref<10000x128xf32, #tpu.memory_space<vmem_shared>> -> memref<80x128xf32, #tpu.memory_space<vmem_shared>>
      %dma_start3A_67 = arith.constant 0 : i32
      %dma_start3A_68 = tpu.memref_slice %arg15[%add3A_30, %dma_start3A_67] : memref<10000x128xf32, #tpu.memory_space<vmem_shared>> -> memref<80x128xf32, #tpu.memory_space<vmem_shared>>
      tpu.enqueue_dma source(%arg14 : memref<80x128xf32, #tpu.memory_space<vmem>>) target(%dma_start3A_68 : memref<80x128xf32, #tpu.memory_space<vmem_shared>>) target_semaphore(%run_scoped3A : memref<!tpu.dma_semaphore, #tpu.memory_space<semaphore_mem>>)
      %dma_wait3A = arith.constant 0 : i32
      %dma_wait3A_69 = tpu.memref_slice %arg15[%add3A_30, %dma_wait3A] : memref<10000x128xf32, #tpu.memory_space<vmem_shared>> -> memref<80x128xf32, #tpu.memory_space<vmem_shared>>
      %dma_wait3A_70 = arith.constant 0 : i32
      %dma_wait3A_71 = tpu.memref_slice %arg15[%add3A_30, %dma_wait3A_70] : memref<10000x128xf32, #tpu.memory_space<vmem_shared>> -> memref<80x128xf32, #tpu.memory_space<vmem_shared>>
      tpu.wait_dma2 semaphore(%run_scoped3A : memref<!tpu.dma_semaphore, #tpu.memory_space<semaphore_mem>>) src(%arg14 : memref<80x128xf32, #tpu.memory_space<vmem>>) dst(%dma_wait3A_71 : memref<80x128xf32, #tpu.memory_space<vmem_shared>>)
      tpu.yield
    }) : () -> ()
    %add3A_31 = arith.constant 400 : i32
    %add3A_32 = arith.addi %mul3A_8, %add3A_31 : i32
    "tpu.region"() ({
      %run_scoped3A = tpu.sem_alloc : memref<!tpu.dma_semaphore, #tpu.memory_space<semaphore_mem>>
      %dma_start3A = arith.constant 0 : i32
      %dma_start3A_66 = tpu.memref_slice %arg16[%add3A_32, %dma_start3A] : memref<10000x16xf32, #tpu.memory_space<vmem_shared>> -> memref<80x16xf32, #tpu.memory_space<vmem_shared>>
      %dma_start3A_67 = arith.constant 0 : i32
      %dma_start3A_68 = tpu.memref_slice %arg16[%add3A_32, %dma_start3A_67] : memref<10000x16xf32, #tpu.memory_space<vmem_shared>> -> memref<80x16xf32, #tpu.memory_space<vmem_shared>>
      tpu.enqueue_dma source(%arg11 : memref<80x16xf32, #tpu.memory_space<vmem>>) target(%dma_start3A_68 : memref<80x16xf32, #tpu.memory_space<vmem_shared>>) target_semaphore(%run_scoped3A : memref<!tpu.dma_semaphore, #tpu.memory_space<semaphore_mem>>)
      %dma_wait3A = arith.constant 0 : i32
      %dma_wait3A_69 = tpu.memref_slice %arg16[%add3A_32, %dma_wait3A] : memref<10000x16xf32, #tpu.memory_space<vmem_shared>> -> memref<80x16xf32, #tpu.memory_space<vmem_shared>>
      %dma_wait3A_70 = arith.constant 0 : i32
      %dma_wait3A_71 = tpu.memref_slice %arg16[%add3A_32, %dma_wait3A_70] : memref<10000x16xf32, #tpu.memory_space<vmem_shared>> -> memref<80x16xf32, #tpu.memory_space<vmem_shared>>
      tpu.wait_dma2 semaphore(%run_scoped3A : memref<!tpu.dma_semaphore, #tpu.memory_space<semaphore_mem>>) src(%arg11 : memref<80x16xf32, #tpu.memory_space<vmem>>) dst(%dma_wait3A_71 : memref<80x16xf32, #tpu.memory_space<vmem_shared>>)
      tpu.yield
    }) : () -> ()
    %add3A_33 = arith.constant 480 : i32
    %add3A_34 = arith.addi %mul3A_8, %add3A_33 : i32
    "tpu.region"() ({
      %run_scoped3A = tpu.sem_alloc : memref<!tpu.dma_semaphore, #tpu.memory_space<semaphore_mem>>
      %dma_start3A = arith.constant 0 : i32
      %dma_start3A_66 = tpu.memref_slice %arg15[%add3A_34, %dma_start3A] : memref<10000x128xf32, #tpu.memory_space<vmem_shared>> -> memref<80x128xf32, #tpu.memory_space<vmem_shared>>
      %dma_start3A_67 = arith.constant 0 : i32
      %dma_start3A_68 = tpu.memref_slice %arg15[%add3A_34, %dma_start3A_67] : memref<10000x128xf32, #tpu.memory_space<vmem_shared>> -> memref<80x128xf32, #tpu.memory_space<vmem_shared>>
      tpu.enqueue_dma source(%arg14 : memref<80x128xf32, #tpu.memory_space<vmem>>) target(%dma_start3A_68 : memref<80x128xf32, #tpu.memory_space<vmem_shared>>) target_semaphore(%run_scoped3A : memref<!tpu.dma_semaphore, #tpu.memory_space<semaphore_mem>>)
      %dma_wait3A = arith.constant 0 : i32
      %dma_wait3A_69 = tpu.memref_slice %arg15[%add3A_34, %dma_wait3A] : memref<10000x128xf32, #tpu.memory_space<vmem_shared>> -> memref<80x128xf32, #tpu.memory_space<vmem_shared>>
      %dma_wait3A_70 = arith.constant 0 : i32
      %dma_wait3A_71 = tpu.memref_slice %arg15[%add3A_34, %dma_wait3A_70] : memref<10000x128xf32, #tpu.memory_space<vmem_shared>> -> memref<80x128xf32, #tpu.memory_space<vmem_shared>>
      tpu.wait_dma2 semaphore(%run_scoped3A : memref<!tpu.dma_semaphore, #tpu.memory_space<semaphore_mem>>) src(%arg14 : memref<80x128xf32, #tpu.memory_space<vmem>>) dst(%dma_wait3A_71 : memref<80x128xf32, #tpu.memory_space<vmem_shared>>)
      tpu.yield
    }) : () -> ()
    %add3A_35 = arith.constant 480 : i32
    %add3A_36 = arith.addi %mul3A_8, %add3A_35 : i32
    "tpu.region"() ({
      %run_scoped3A = tpu.sem_alloc : memref<!tpu.dma_semaphore, #tpu.memory_space<semaphore_mem>>
      %dma_start3A = arith.constant 0 : i32
      %dma_start3A_66 = tpu.memref_slice %arg16[%add3A_36, %dma_start3A] : memref<10000x16xf32, #tpu.memory_space<vmem_shared>> -> memref<80x16xf32, #tpu.memory_space<vmem_shared>>
      %dma_start3A_67 = arith.constant 0 : i32
      %dma_start3A_68 = tpu.memref_slice %arg16[%add3A_36, %dma_start3A_67] : memref<10000x16xf32, #tpu.memory_space<vmem_shared>> -> memref<80x16xf32, #tpu.memory_space<vmem_shared>>
      tpu.enqueue_dma source(%arg11 : memref<80x16xf32, #tpu.memory_space<vmem>>) target(%dma_start3A_68 : memref<80x16xf32, #tpu.memory_space<vmem_shared>>) target_semaphore(%run_scoped3A : memref<!tpu.dma_semaphore, #tpu.memory_space<semaphore_mem>>)
      %dma_wait3A = arith.constant 0 : i32
      %dma_wait3A_69 = tpu.memref_slice %arg16[%add3A_36, %dma_wait3A] : memref<10000x16xf32, #tpu.memory_space<vmem_shared>> -> memref<80x16xf32, #tpu.memory_space<vmem_shared>>
      %dma_wait3A_70 = arith.constant 0 : i32
      %dma_wait3A_71 = tpu.memref_slice %arg16[%add3A_36, %dma_wait3A_70] : memref<10000x16xf32, #tpu.memory_space<vmem_shared>> -> memref<80x16xf32, #tpu.memory_space<vmem_shared>>
      tpu.wait_dma2 semaphore(%run_scoped3A : memref<!tpu.dma_semaphore, #tpu.memory_space<semaphore_mem>>) src(%arg11 : memref<80x16xf32, #tpu.memory_space<vmem>>) dst(%dma_wait3A_71 : memref<80x16xf32, #tpu.memory_space<vmem_shared>>)
      tpu.yield
    }) : () -> ()
    %add3A_37 = arith.constant 560 : i32
    %add3A_38 = arith.addi %mul3A_8, %add3A_37 : i32
    "tpu.region"() ({
      %run_scoped3A = tpu.sem_alloc : memref<!tpu.dma_semaphore, #tpu.memory_space<semaphore_mem>>
      %dma_start3A = arith.constant 0 : i32
      %dma_start3A_66 = arith.constant 0 : i32
      %dma_start3A_67 = tpu.memref_slice %arg14[%dma_start3A, %dma_start3A_66] : memref<80x128xf32, #tpu.memory_space<vmem>> -> memref<65x128xf32, #tpu.memory_space<vmem>>
      %dma_start3A_68 = arith.constant 0 : i32
      %dma_start3A_69 = tpu.memref_slice %arg15[%add3A_38, %dma_start3A_68] : memref<10000x128xf32, #tpu.memory_space<vmem_shared>> -> memref<65x128xf32, #tpu.memory_space<vmem_shared>>
      %dma_start3A_70 = arith.constant 0 : i32
      %dma_start3A_71 = tpu.memref_slice %arg15[%add3A_38, %dma_start3A_70] : memref<10000x128xf32, #tpu.memory_space<vmem_shared>> -> memref<65x128xf32, #tpu.memory_space<vmem_shared>>
      %dma_start3A_72 = arith.constant 0 : i32
      %dma_start3A_73 = arith.constant 0 : i32
      %dma_start3A_74 = tpu.memref_slice %arg14[%dma_start3A_72, %dma_start3A_73] : memref<80x128xf32, #tpu.memory_space<vmem>> -> memref<65x128xf32, #tpu.memory_space<vmem>>
      tpu.enqueue_dma source(%dma_start3A_74 : memref<65x128xf32, #tpu.memory_space<vmem>>) target(%dma_start3A_71 : memref<65x128xf32, #tpu.memory_space<vmem_shared>>) target_semaphore(%run_scoped3A : memref<!tpu.dma_semaphore, #tpu.memory_space<semaphore_mem>>)
      %dma_wait3A = arith.constant 0 : i32
      %dma_wait3A_75 = arith.constant 0 : i32
      %dma_wait3A_76 = tpu.memref_slice %arg14[%dma_wait3A, %dma_wait3A_75] : memref<80x128xf32, #tpu.memory_space<vmem>> -> memref<65x128xf32, #tpu.memory_space<vmem>>
      %dma_wait3A_77 = arith.constant 0 : i32
      %dma_wait3A_78 = tpu.memref_slice %arg15[%add3A_38, %dma_wait3A_77] : memref<10000x128xf32, #tpu.memory_space<vmem_shared>> -> memref<65x128xf32, #tpu.memory_space<vmem_shared>>
      %dma_wait3A_79 = arith.constant 0 : i32
      %dma_wait3A_80 = tpu.memref_slice %arg15[%add3A_38, %dma_wait3A_79] : memref<10000x128xf32, #tpu.memory_space<vmem_shared>> -> memref<65x128xf32, #tpu.memory_space<vmem_shared>>
      %dma_wait3A_81 = arith.constant 0 : i32
      %dma_wait3A_82 = arith.constant 0 : i32
      %dma_wait3A_83 = tpu.memref_slice %arg14[%dma_wait3A_81, %dma_wait3A_82] : memref<80x128xf32, #tpu.memory_space<vmem>> -> memref<65x128xf32, #tpu.memory_space<vmem>>
      tpu.wait_dma2 semaphore(%run_scoped3A : memref<!tpu.dma_semaphore, #tpu.memory_space<semaphore_mem>>) src(%dma_wait3A_83 : memref<65x128xf32, #tpu.memory_space<vmem>>) dst(%dma_wait3A_80 : memref<65x128xf32, #tpu.memory_space<vmem_shared>>)
      tpu.yield
    }) : () -> ()
    "tpu.region"() ({
      %run_scoped3A = tpu.sem_alloc : memref<!tpu.dma_semaphore, #tpu.memory_space<semaphore_mem>>
      %dma_start3A = arith.constant 0 : i32
      %dma_start3A_66 = arith.constant 0 : i32
      %dma_start3A_67 = tpu.memref_slice %arg11[%dma_start3A, %dma_start3A_66] : memref<80x16xf32, #tpu.memory_space<vmem>> -> memref<65x16xf32, #tpu.memory_space<vmem>>
      %dma_start3A_68 = arith.constant 0 : i32
      %dma_start3A_69 = tpu.memref_slice %arg16[%add3A_38, %dma_start3A_68] : memref<10000x16xf32, #tpu.memory_space<vmem_shared>> -> memref<65x16xf32, #tpu.memory_space<vmem_shared>>
      %dma_start3A_70 = arith.constant 0 : i32
      %dma_start3A_71 = tpu.memref_slice %arg16[%add3A_38, %dma_start3A_70] : memref<10000x16xf32, #tpu.memory_space<vmem_shared>> -> memref<65x16xf32, #tpu.memory_space<vmem_shared>>
      %dma_start3A_72 = arith.constant 0 : i32
      %dma_start3A_73 = arith.constant 0 : i32
      %dma_start3A_74 = tpu.memref_slice %arg11[%dma_start3A_72, %dma_start3A_73] : memref<80x16xf32, #tpu.memory_space<vmem>> -> memref<65x16xf32, #tpu.memory_space<vmem>>
      tpu.enqueue_dma source(%dma_start3A_74 : memref<65x16xf32, #tpu.memory_space<vmem>>) target(%dma_start3A_71 : memref<65x16xf32, #tpu.memory_space<vmem_shared>>) target_semaphore(%run_scoped3A : memref<!tpu.dma_semaphore, #tpu.memory_space<semaphore_mem>>)
      %dma_wait3A = arith.constant 0 : i32
      %dma_wait3A_75 = arith.constant 0 : i32
      %dma_wait3A_76 = tpu.memref_slice %arg11[%dma_wait3A, %dma_wait3A_75] : memref<80x16xf32, #tpu.memory_space<vmem>> -> memref<65x16xf32, #tpu.memory_space<vmem>>
      %dma_wait3A_77 = arith.constant 0 : i32
      %dma_wait3A_78 = tpu.memref_slice %arg16[%add3A_38, %dma_wait3A_77] : memref<10000x16xf32, #tpu.memory_space<vmem_shared>> -> memref<65x16xf32, #tpu.memory_space<vmem_shared>>
      %dma_wait3A_79 = arith.constant 0 : i32
      %dma_wait3A_80 = tpu.memref_slice %arg16[%add3A_38, %dma_wait3A_79] : memref<10000x16xf32, #tpu.memory_space<vmem_shared>> -> memref<65x16xf32, #tpu.memory_space<vmem_shared>>
      %dma_wait3A_81 = arith.constant 0 : i32
      %dma_wait3A_82 = arith.constant 0 : i32
      %dma_wait3A_83 = tpu.memref_slice %arg11[%dma_wait3A_81, %dma_wait3A_82] : memref<80x16xf32, #tpu.memory_space<vmem>> -> memref<65x16xf32, #tpu.memory_space<vmem>>
      tpu.wait_dma2 semaphore(%run_scoped3A : memref<!tpu.dma_semaphore, #tpu.memory_space<semaphore_mem>>) src(%dma_wait3A_83 : memref<65x16xf32, #tpu.memory_space<vmem>>) dst(%dma_wait3A_80 : memref<65x16xf32, #tpu.memory_space<vmem_shared>>)
      tpu.yield
    }) : () -> ()
    %barrier3A = arith.constant 0 : index
    tpu.barrier barrier_id(%barrier3A)
    %scan3A_39 = arith.constant 0 : i32
    %scan3A_40 = arith.constant 0 : i32
    %scan3A_41 = arith.constant 125 : i32
    %scan3A_42 = arith.addi %scan3A_40, %scan3A_41 : i32
    %scan3A_43 = arith.constant 1 : i32
    scf.for %scan3A_66 = %scan3A_40 to %scan3A_42 step %scan3A_43  : i32 {
      %mul3A_67 = arith.constant 125 : i32
      %mul3A_68 = arith.muli %add3A, %mul3A_67 : i32
      %add3A_69 = arith.addi %mul3A_68, %scan3A_66 : i32
      "tpu.region"() ({
        %run_scoped3A = tpu.sem_alloc : memref<!tpu.dma_semaphore, #tpu.memory_space<semaphore_mem>>
        %dma_start3A_92 = arith.constant 0 : i32
        %dma_start3A_93 = tpu.memref_slice %arg5[%add3A_69, %dma_start3A_92] : memref<4000x80xi32, #tpu.memory_space<hbm>> -> memref<1x80xi32, #tpu.memory_space<hbm>>
        %dma_start3A_94 = tpu.memref_squeeze %dma_start3A_93 : memref<1x80xi32, #tpu.memory_space<hbm>> -> memref<80xi32, #tpu.memory_space<hbm>>
        %dma_start3A_95 = arith.constant 0 : i32
        %dma_start3A_96 = tpu.memref_slice %arg5[%add3A_69, %dma_start3A_95] : memref<4000x80xi32, #tpu.memory_space<hbm>> -> memref<1x80xi32, #tpu.memory_space<hbm>>
        %dma_start3A_97 = tpu.memref_squeeze %dma_start3A_96 : memref<1x80xi32, #tpu.memory_space<hbm>> -> memref<80xi32, #tpu.memory_space<hbm>>
        tpu.enqueue_dma source(%dma_start3A_97 : memref<80xi32, #tpu.memory_space<hbm>>) target(%arg9 : memref<80xi32, #tpu.memory_space<vmem>>) target_semaphore(%run_scoped3A : memref<!tpu.dma_semaphore, #tpu.memory_space<semaphore_mem>>)
        %dma_wait3A_98 = arith.constant 0 : i32
        %dma_wait3A_99 = tpu.memref_slice %arg5[%add3A_69, %dma_wait3A_98] : memref<4000x80xi32, #tpu.memory_space<hbm>> -> memref<1x80xi32, #tpu.memory_space<hbm>>
        %dma_wait3A_100 = tpu.memref_squeeze %dma_wait3A_99 : memref<1x80xi32, #tpu.memory_space<hbm>> -> memref<80xi32, #tpu.memory_space<hbm>>
        %dma_wait3A_101 = arith.constant 0 : i32
        %dma_wait3A_102 = tpu.memref_slice %arg5[%add3A_69, %dma_wait3A_101] : memref<4000x80xi32, #tpu.memory_space<hbm>> -> memref<1x80xi32, #tpu.memory_space<hbm>>
        %dma_wait3A_103 = tpu.memref_squeeze %dma_wait3A_102 : memref<1x80xi32, #tpu.memory_space<hbm>> -> memref<80xi32, #tpu.memory_space<hbm>>
        tpu.wait_dma2 semaphore(%run_scoped3A : memref<!tpu.dma_semaphore, #tpu.memory_space<semaphore_mem>>) src(%dma_wait3A_103 : memref<80xi32, #tpu.memory_space<hbm>>) dst(%arg9 : memref<80xi32, #tpu.memory_space<vmem>>)
        tpu.yield
      }) : () -> ()
      "tpu.region"() ({
        %run_scoped3A = tpu.sem_alloc : memref<!tpu.dma_semaphore, #tpu.memory_space<semaphore_mem>>
        %dma_start3A_92 = arith.constant 0 : i32
        %dma_start3A_93 = tpu.memref_slice %arg6[%add3A_69, %dma_start3A_92] : memref<4000x80xi32, #tpu.memory_space<hbm>> -> memref<1x80xi32, #tpu.memory_space<hbm>>
        %dma_start3A_94 = tpu.memref_squeeze %dma_start3A_93 : memref<1x80xi32, #tpu.memory_space<hbm>> -> memref<80xi32, #tpu.memory_space<hbm>>
        %dma_start3A_95 = arith.constant 0 : i32
        %dma_start3A_96 = tpu.memref_slice %arg6[%add3A_69, %dma_start3A_95] : memref<4000x80xi32, #tpu.memory_space<hbm>> -> memref<1x80xi32, #tpu.memory_space<hbm>>
        %dma_start3A_97 = tpu.memref_squeeze %dma_start3A_96 : memref<1x80xi32, #tpu.memory_space<hbm>> -> memref<80xi32, #tpu.memory_space<hbm>>
        tpu.enqueue_dma source(%dma_start3A_97 : memref<80xi32, #tpu.memory_space<hbm>>) target(%arg10 : memref<80xi32, #tpu.memory_space<vmem>>) target_semaphore(%run_scoped3A : memref<!tpu.dma_semaphore, #tpu.memory_space<semaphore_mem>>)
        %dma_wait3A_98 = arith.constant 0 : i32
        %dma_wait3A_99 = tpu.memref_slice %arg6[%add3A_69, %dma_wait3A_98] : memref<4000x80xi32, #tpu.memory_space<hbm>> -> memref<1x80xi32, #tpu.memory_space<hbm>>
        %dma_wait3A_100 = tpu.memref_squeeze %dma_wait3A_99 : memref<1x80xi32, #tpu.memory_space<hbm>> -> memref<80xi32, #tpu.memory_space<hbm>>
        %dma_wait3A_101 = arith.constant 0 : i32
        %dma_wait3A_102 = tpu.memref_slice %arg6[%add3A_69, %dma_wait3A_101] : memref<4000x80xi32, #tpu.memory_space<hbm>> -> memref<1x80xi32, #tpu.memory_space<hbm>>
        %dma_wait3A_103 = tpu.memref_squeeze %dma_wait3A_102 : memref<1x80xi32, #tpu.memory_space<hbm>> -> memref<80xi32, #tpu.memory_space<hbm>>
        tpu.wait_dma2 semaphore(%run_scoped3A : memref<!tpu.dma_semaphore, #tpu.memory_space<semaphore_mem>>) src(%dma_wait3A_103 : memref<80xi32, #tpu.memory_space<hbm>>) dst(%arg10 : memref<80xi32, #tpu.memory_space<vmem>>)
        tpu.yield
      }) : () -> ()
      %dma_start3A = arith.constant 0 : i32
      %dma_start3A_70 = arith.constant 0 : i32
      %dma_start3A_71 = tpu.memref_slice %arg2[%dma_start3A, %dma_start3A_70] : memref<10000x16xf32, #tpu.memory_space<hbm>> -> memref<10000x16xf32, #tpu.memory_space<hbm>>
      tpu.enqueue_indirect_dma source(%dma_start3A_71 : memref<10000x16xf32, #tpu.memory_space<hbm>>) target(%arg11 : memref<80x16xf32, #tpu.memory_space<vmem>>) offsets(%arg9 : memref<80xi32, #tpu.memory_space<vmem>>) semaphore(%arg17 : memref<!tpu.dma_semaphore, #tpu.memory_space<semaphore_mem>>)
      %dma_wait3A = arith.constant 0 : i32
      %dma_wait3A_72 = arith.constant 0 : i32
      %dma_wait3A_73 = tpu.memref_slice %arg2[%dma_wait3A, %dma_wait3A_72] : memref<10000x16xf32, #tpu.memory_space<hbm>> -> memref<10000x16xf32, #tpu.memory_space<hbm>>
      tpu.wait_indirect_dma semaphore(%arg17 : memref<!tpu.dma_semaphore, #tpu.memory_space<semaphore_mem>>) src(%dma_wait3A_73 : memref<10000x16xf32, #tpu.memory_space<hbm>>) dst(%arg11 : memref<80x16xf32, #tpu.memory_space<vmem>>)
      %dma_start3A_74 = arith.constant 0 : i32
      %dma_start3A_75 = arith.constant 0 : i32
      %dma_start3A_76 = tpu.memref_slice %arg3[%dma_start3A_74, %dma_start3A_75] : memref<10000x16xf32, #tpu.memory_space<hbm>> -> memref<10000x16xf32, #tpu.memory_space<hbm>>
      tpu.enqueue_indirect_dma source(%dma_start3A_76 : memref<10000x16xf32, #tpu.memory_space<hbm>>) target(%arg12 : memref<80x16xf32, #tpu.memory_space<vmem>>) offsets(%arg10 : memref<80xi32, #tpu.memory_space<vmem>>) semaphore(%arg18 : memref<!tpu.dma_semaphore, #tpu.memory_space<semaphore_mem>>)
      %dma_wait3A_77 = arith.constant 0 : i32
      %dma_wait3A_78 = arith.constant 0 : i32
      %dma_wait3A_79 = tpu.memref_slice %arg3[%dma_wait3A_77, %dma_wait3A_78] : memref<10000x16xf32, #tpu.memory_space<hbm>> -> memref<10000x16xf32, #tpu.memory_space<hbm>>
      tpu.wait_indirect_dma semaphore(%arg18 : memref<!tpu.dma_semaphore, #tpu.memory_space<semaphore_mem>>) src(%dma_wait3A_79 : memref<10000x16xf32, #tpu.memory_space<hbm>>) dst(%arg12 : memref<80x16xf32, #tpu.memory_space<vmem>>)
      %dma_start3A_80 = arith.constant 0 : i32
      %dma_start3A_81 = arith.constant 0 : i32
      %dma_start3A_82 = tpu.memref_slice %arg4[%dma_start3A_80, %dma_start3A_81] : memref<10000x128xf32, #tpu.memory_space<hbm>> -> memref<10000x128xf32, #tpu.memory_space<hbm>>
      tpu.enqueue_indirect_dma source(%dma_start3A_82 : memref<10000x128xf32, #tpu.memory_space<hbm>>) target(%arg13 : memref<80x128xf32, #tpu.memory_space<vmem>>) offsets(%arg9 : memref<80xi32, #tpu.memory_space<vmem>>) semaphore(%arg19 : memref<!tpu.dma_semaphore, #tpu.memory_space<semaphore_mem>>)
      %dma_wait3A_83 = arith.constant 0 : i32
      %dma_wait3A_84 = arith.constant 0 : i32
      %dma_wait3A_85 = tpu.memref_slice %arg4[%dma_wait3A_83, %dma_wait3A_84] : memref<10000x128xf32, #tpu.memory_space<hbm>> -> memref<10000x128xf32, #tpu.memory_space<hbm>>
      tpu.wait_indirect_dma semaphore(%arg19 : memref<!tpu.dma_semaphore, #tpu.memory_space<semaphore_mem>>) src(%dma_wait3A_85 : memref<10000x128xf32, #tpu.memory_space<hbm>>) dst(%arg13 : memref<80x128xf32, #tpu.memory_space<vmem>>)
      %scan3A_86 = arith.constant 0 : i32
      %scan3A_87 = arith.constant 0 : i32
      %scan3A_88 = arith.constant 80 : i32
      %scan3A_89 = arith.addi %scan3A_87, %scan3A_88 : i32
      %scan3A_90 = arith.constant 1 : i32
      scf.for %scan3A_92 = %scan3A_87 to %scan3A_89 step %scan3A_90  : i32 {
        %get3A = arith.index_cast %scan3A_92 : i32 to index
        %get3A_93 = arith.constant 0 : index
        %get3A_94 = tpu.vector_load %arg11[%get3A, %get3A_93] {strides = array<i32>} : memref<80x16xf32, #tpu.memory_space<vmem>>, vector<1x16xf32>,
        %get3A_95 = vector.shape_cast %get3A_94 : vector<1x16xf32> to vector<16xf32>
        %get3A_96 = arith.index_cast %scan3A_92 : i32 to index
        %get3A_97 = arith.constant 0 : index
        %get3A_98 = tpu.vector_load %arg12[%get3A_96, %get3A_97] {strides = array<i32>} : memref<80x16xf32, #tpu.memory_space<vmem>>, vector<1x16xf32>,
        %get3A_99 = vector.shape_cast %get3A_98 : vector<1x16xf32> to vector<16xf32>
        %add3A_100 = arith.addf %get3A_95, %get3A_99 : vector<16xf32>
        %ge3A = arith.constant 0.000000e+00 : f32
        %ge3A_101 = vector.broadcast %ge3A : f32 to vector<16xf32>
        %ge3A_102 = arith.cmpf oge, %add3A_100, %ge3A_101 : vector<16xf32>
        %mul3A_103 = arith.constant 2.000000e-01 : f32
        %mul3A_104 = vector.broadcast %mul3A_103 : f32 to vector<16xf32>
        %mul3A_105 = arith.mulf %add3A_100, %mul3A_104 : vector<16xf32>
        %select_n3A = arith.select %ge3A_102, %add3A_100, %mul3A_105 : vector<16xi1>, vector<16xf32>
        %exp3A = math.exp %select_n3A : vector<16xf32>
        %swap3A = arith.index_cast %scan3A_92 : i32 to index
        %swap3A_106 = arith.constant 0 : index
        %swap3A_107 = tpu.vector_load %arg11[%swap3A, %swap3A_106] {strides = array<i32>} : memref<80x16xf32, #tpu.memory_space<vmem>>, vector<1x16xf32>,
        %swap3A_108 = vector.shape_cast %swap3A_107 : vector<1x16xf32> to vector<16xf32>
        %swap3A_109 = vector.shape_cast %exp3A : vector<16xf32> to vector<1x16xf32>
        tpu.vector_store %arg11[%swap3A, %swap3A_106], %swap3A_109 {strides = array<i32>} : memref<80x16xf32, #tpu.memory_space<vmem>>, vector<1x16xf32>,
        %slice3A = vector.extract_strided_slice %exp3A {offsets = [0], sizes = [1], strides = [1]} : vector<16xf32> to vector<1xf32>
        %squeeze3A = vector.extract %slice3A[0] : f32 from vector<1xf32>
        %broadcast_in_dim3A_110 = vector.broadcast %squeeze3A : f32 to vector<16xf32>
        %get3A_111 = arith.index_cast %scan3A_92 : i32 to index
        %get3A_112 = arith.constant 0 : index
        %get3A_113 = tpu.vector_load %arg13[%get3A_111, %get3A_112] {strides = array<i32>} : memref<80x128xf32, #tpu.memory_space<vmem>>, vector<1x16xf32>,
        %get3A_114 = vector.shape_cast %get3A_113 : vector<1x16xf32> to vector<16xf32>
        %mul3A_115 = arith.mulf %get3A_114, %broadcast_in_dim3A_110 : vector<16xf32>
        %swap3A_116 = arith.index_cast %scan3A_92 : i32 to index
        %swap3A_117 = arith.constant 0 : index
        %swap3A_118 = tpu.vector_load %arg14[%swap3A_116, %swap3A_117] {strides = array<i32>} : memref<80x128xf32, #tpu.memory_space<vmem>>, vector<1x16xf32>,
        %swap3A_119 = vector.shape_cast %swap3A_118 : vector<1x16xf32> to vector<16xf32>
        %swap3A_120 = vector.shape_cast %mul3A_115 : vector<16xf32> to vector<1x16xf32>
        tpu.vector_store %arg14[%swap3A_116, %swap3A_117], %swap3A_120 {strides = array<i32>} : memref<80x128xf32, #tpu.memory_space<vmem>>, vector<1x16xf32>,
        %slice3A_121 = vector.extract_strided_slice %exp3A {offsets = [1], sizes = [1], strides = [1]} : vector<16xf32> to vector<1xf32>
        %squeeze3A_122 = vector.extract %slice3A_121[0] : f32 from vector<1xf32>
        %broadcast_in_dim3A_123 = vector.broadcast %squeeze3A_122 : f32 to vector<16xf32>
        %get3A_124 = arith.index_cast %scan3A_92 : i32 to index
        %get3A_125 = arith.constant 16 : index
        %get3A_126 = tpu.vector_load %arg13[%get3A_124, %get3A_125] {strides = array<i32>} : memref<80x128xf32, #tpu.memory_space<vmem>>, vector<1x16xf32>,
        %get3A_127 = vector.shape_cast %get3A_126 : vector<1x16xf32> to vector<16xf32>
        %mul3A_128 = arith.mulf %get3A_127, %broadcast_in_dim3A_123 : vector<16xf32>
        %swap3A_129 = arith.index_cast %scan3A_92 : i32 to index
        %swap3A_130 = arith.constant 16 : index
        %swap3A_131 = tpu.vector_load %arg14[%swap3A_129, %swap3A_130] {strides = array<i32>} : memref<80x128xf32, #tpu.memory_space<vmem>>, vector<1x16xf32>,
        %swap3A_132 = vector.shape_cast %swap3A_131 : vector<1x16xf32> to vector<16xf32>
        %swap3A_133 = vector.shape_cast %mul3A_128 : vector<16xf32> to vector<1x16xf32>
        tpu.vector_store %arg14[%swap3A_129, %swap3A_130], %swap3A_133 {strides = array<i32>} : memref<80x128xf32, #tpu.memory_space<vmem>>, vector<1x16xf32>,
        %slice3A_134 = vector.extract_strided_slice %exp3A {offsets = [2], sizes = [1], strides = [1]} : vector<16xf32> to vector<1xf32>
        %squeeze3A_135 = vector.extract %slice3A_134[0] : f32 from vector<1xf32>
        %broadcast_in_dim3A_136 = vector.broadcast %squeeze3A_135 : f32 to vector<16xf32>
        %get3A_137 = arith.index_cast %scan3A_92 : i32 to index
        %get3A_138 = arith.constant 32 : index
        %get3A_139 = tpu.vector_load %arg13[%get3A_137, %get3A_138] {strides = array<i32>} : memref<80x128xf32, #tpu.memory_space<vmem>>, vector<1x16xf32>,
        %get3A_140 = vector.shape_cast %get3A_139 : vector<1x16xf32> to vector<16xf32>
        %mul3A_141 = arith.mulf %get3A_140, %broadcast_in_dim3A_136 : vector<16xf32>
        %swap3A_142 = arith.index_cast %scan3A_92 : i32 to index
        %swap3A_143 = arith.constant 32 : index
        %swap3A_144 = tpu.vector_load %arg14[%swap3A_142, %swap3A_143] {strides = array<i32>} : memref<80x128xf32, #tpu.memory_space<vmem>>, vector<1x16xf32>,
        %swap3A_145 = vector.shape_cast %swap3A_144 : vector<1x16xf32> to vector<16xf32>
        %swap3A_146 = vector.shape_cast %mul3A_141 : vector<16xf32> to vector<1x16xf32>
        tpu.vector_store %arg14[%swap3A_142, %swap3A_143], %swap3A_146 {strides = array<i32>} : memref<80x128xf32, #tpu.memory_space<vmem>>, vector<1x16xf32>,
        %slice3A_147 = vector.extract_strided_slice %exp3A {offsets = [3], sizes = [1], strides = [1]} : vector<16xf32> to vector<1xf32>
        %squeeze3A_148 = vector.extract %slice3A_147[0] : f32 from vector<1xf32>
        %broadcast_in_dim3A_149 = vector.broadcast %squeeze3A_148 : f32 to vector<16xf32>
        %get3A_150 = arith.index_cast %scan3A_92 : i32 to index
        %get3A_151 = arith.constant 48 : index
        %get3A_152 = tpu.vector_load %arg13[%get3A_150, %get3A_151] {strides = array<i32>} : memref<80x128xf32, #tpu.memory_space<vmem>>, vector<1x16xf32>,
        %get3A_153 = vector.shape_cast %get3A_152 : vector<1x16xf32> to vector<16xf32>
        %mul3A_154 = arith.mulf %get3A_153, %broadcast_in_dim3A_149 : vector<16xf32>
        %swap3A_155 = arith.index_cast %scan3A_92 : i32 to index
        %swap3A_156 = arith.constant 48 : index
        %swap3A_157 = tpu.vector_load %arg14[%swap3A_155, %swap3A_156] {strides = array<i32>} : memref<80x128xf32, #tpu.memory_space<vmem>>, vector<1x16xf32>,
        %swap3A_158 = vector.shape_cast %swap3A_157 : vector<1x16xf32> to vector<16xf32>
        %swap3A_159 = vector.shape_cast %mul3A_154 : vector<16xf32> to vector<1x16xf32>
        tpu.vector_store %arg14[%swap3A_155, %swap3A_156], %swap3A_159 {strides = array<i32>} : memref<80x128xf32, #tpu.memory_space<vmem>>, vector<1x16xf32>,
        %slice3A_160 = vector.extract_strided_slice %exp3A {offsets = [4], sizes = [1], strides = [1]} : vector<16xf32> to vector<1xf32>
        %squeeze3A_161 = vector.extract %slice3A_160[0] : f32 from vector<1xf32>
        %broadcast_in_dim3A_162 = vector.broadcast %squeeze3A_161 : f32 to vector<16xf32>
        %get3A_163 = arith.index_cast %scan3A_92 : i32 to index
        %get3A_164 = arith.constant 64 : index
        %get3A_165 = tpu.vector_load %arg13[%get3A_163, %get3A_164] {strides = array<i32>} : memref<80x128xf32, #tpu.memory_space<vmem>>, vector<1x16xf32>,
        %get3A_166 = vector.shape_cast %get3A_165 : vector<1x16xf32> to vector<16xf32>
        %mul3A_167 = arith.mulf %get3A_166, %broadcast_in_dim3A_162 : vector<16xf32>
        %swap3A_168 = arith.index_cast %scan3A_92 : i32 to index
        %swap3A_169 = arith.constant 64 : index
        %swap3A_170 = tpu.vector_load %arg14[%swap3A_168, %swap3A_169] {strides = array<i32>} : memref<80x128xf32, #tpu.memory_space<vmem>>, vector<1x16xf32>,
        %swap3A_171 = vector.shape_cast %swap3A_170 : vector<1x16xf32> to vector<16xf32>
        %swap3A_172 = vector.shape_cast %mul3A_167 : vector<16xf32> to vector<1x16xf32>
        tpu.vector_store %arg14[%swap3A_168, %swap3A_169], %swap3A_172 {strides = array<i32>} : memref<80x128xf32, #tpu.memory_space<vmem>>, vector<1x16xf32>,
        %slice3A_173 = vector.extract_strided_slice %exp3A {offsets = [5], sizes = [1], strides = [1]} : vector<16xf32> to vector<1xf32>
        %squeeze3A_174 = vector.extract %slice3A_173[0] : f32 from vector<1xf32>
        %broadcast_in_dim3A_175 = vector.broadcast %squeeze3A_174 : f32 to vector<16xf32>
        %get3A_176 = arith.index_cast %scan3A_92 : i32 to index
        %get3A_177 = arith.constant 80 : index
        %get3A_178 = tpu.vector_load %arg13[%get3A_176, %get3A_177] {strides = array<i32>} : memref<80x128xf32, #tpu.memory_space<vmem>>, vector<1x16xf32>,
        %get3A_179 = vector.shape_cast %get3A_178 : vector<1x16xf32> to vector<16xf32>
        %mul3A_180 = arith.mulf %get3A_179, %broadcast_in_dim3A_175 : vector<16xf32>
        %swap3A_181 = arith.index_cast %scan3A_92 : i32 to index
        %swap3A_182 = arith.constant 80 : index
        %swap3A_183 = tpu.vector_load %arg14[%swap3A_181, %swap3A_182] {strides = array<i32>} : memref<80x128xf32, #tpu.memory_space<vmem>>, vector<1x16xf32>,
        %swap3A_184 = vector.shape_cast %swap3A_183 : vector<1x16xf32> to vector<16xf32>
        %swap3A_185 = vector.shape_cast %mul3A_180 : vector<16xf32> to vector<1x16xf32>
        tpu.vector_store %arg14[%swap3A_181, %swap3A_182], %swap3A_185 {strides = array<i32>} : memref<80x128xf32, #tpu.memory_space<vmem>>, vector<1x16xf32>,
        %slice3A_186 = vector.extract_strided_slice %exp3A {offsets = [6], sizes = [1], strides = [1]} : vector<16xf32> to vector<1xf32>
        %squeeze3A_187 = vector.extract %slice3A_186[0] : f32 from vector<1xf32>
        %broadcast_in_dim3A_188 = vector.broadcast %squeeze3A_187 : f32 to vector<16xf32>
        %get3A_189 = arith.index_cast %scan3A_92 : i32 to index
        %get3A_190 = arith.constant 96 : index
        %get3A_191 = tpu.vector_load %arg13[%get3A_189, %get3A_190] {strides = array<i32>} : memref<80x128xf32, #tpu.memory_space<vmem>>, vector<1x16xf32>,
        %get3A_192 = vector.shape_cast %get3A_191 : vector<1x16xf32> to vector<16xf32>
        %mul3A_193 = arith.mulf %get3A_192, %broadcast_in_dim3A_188 : vector<16xf32>
        %swap3A_194 = arith.index_cast %scan3A_92 : i32 to index
        %swap3A_195 = arith.constant 96 : index
        %swap3A_196 = tpu.vector_load %arg14[%swap3A_194, %swap3A_195] {strides = array<i32>} : memref<80x128xf32, #tpu.memory_space<vmem>>, vector<1x16xf32>,
        %swap3A_197 = vector.shape_cast %swap3A_196 : vector<1x16xf32> to vector<16xf32>
        %swap3A_198 = vector.shape_cast %mul3A_193 : vector<16xf32> to vector<1x16xf32>
        tpu.vector_store %arg14[%swap3A_194, %swap3A_195], %swap3A_198 {strides = array<i32>} : memref<80x128xf32, #tpu.memory_space<vmem>>, vector<1x16xf32>,
        %slice3A_199 = vector.extract_strided_slice %exp3A {offsets = [7], sizes = [1], strides = [1]} : vector<16xf32> to vector<1xf32>
        %squeeze3A_200 = vector.extract %slice3A_199[0] : f32 from vector<1xf32>
        %broadcast_in_dim3A_201 = vector.broadcast %squeeze3A_200 : f32 to vector<16xf32>
        %get3A_202 = arith.index_cast %scan3A_92 : i32 to index
        %get3A_203 = arith.constant 112 : index
        %get3A_204 = tpu.vector_load %arg13[%get3A_202, %get3A_203] {strides = array<i32>} : memref<80x128xf32, #tpu.memory_space<vmem>>, vector<1x16xf32>,
        %get3A_205 = vector.shape_cast %get3A_204 : vector<1x16xf32> to vector<16xf32>
        %mul3A_206 = arith.mulf %get3A_205, %broadcast_in_dim3A_201 : vector<16xf32>
        %swap3A_207 = arith.index_cast %scan3A_92 : i32 to index
        %swap3A_208 = arith.constant 112 : index
        %swap3A_209 = tpu.vector_load %arg14[%swap3A_207, %swap3A_208] {strides = array<i32>} : memref<80x128xf32, #tpu.memory_space<vmem>>, vector<1x16xf32>,
        %swap3A_210 = vector.shape_cast %swap3A_209 : vector<1x16xf32> to vector<16xf32>
        %swap3A_211 = vector.shape_cast %mul3A_206 : vector<16xf32> to vector<1x16xf32>
        tpu.vector_store %arg14[%swap3A_207, %swap3A_208], %swap3A_211 {strides = array<i32>} : memref<80x128xf32, #tpu.memory_space<vmem>>, vector<1x16xf32>,
      }
      %scan3A_91 = arith.constant 80 : i32
      "tpu.region"() ({
        %run_scoped3A = tpu.sem_alloc : memref<!tpu.dma_semaphore, #tpu.memory_space<semaphore_mem>>
        %dma_start3A_92 = arith.constant 0 : i32
        %dma_start3A_93 = arith.constant 0 : i32
        %dma_start3A_94 = tpu.memref_slice %arg16[%dma_start3A_92, %dma_start3A_93] : memref<10000x16xf32, #tpu.memory_space<vmem_shared>> -> memref<10000x16xf32, #tpu.memory_space<vmem_shared>>
        tpu.enqueue_indirect_dma source(%arg11 : memref<80x16xf32, #tpu.memory_space<vmem>>) target(%dma_start3A_94 : memref<10000x16xf32, #tpu.memory_space<vmem_shared>>) offsets(%arg10 : memref<80xi32, #tpu.memory_space<vmem>>) semaphore(%run_scoped3A : memref<!tpu.dma_semaphore, #tpu.memory_space<semaphore_mem>>) {add = true}
        %dma_wait3A_95 = arith.constant 0 : i32
        %dma_wait3A_96 = arith.constant 0 : i32
        %dma_wait3A_97 = tpu.memref_slice %arg16[%dma_wait3A_95, %dma_wait3A_96] : memref<10000x16xf32, #tpu.memory_space<vmem_shared>> -> memref<10000x16xf32, #tpu.memory_space<vmem_shared>>
        tpu.wait_indirect_dma semaphore(%run_scoped3A : memref<!tpu.dma_semaphore, #tpu.memory_space<semaphore_mem>>) src(%arg11 : memref<80x16xf32, #tpu.memory_space<vmem>>) dst(%dma_wait3A_97 : memref<10000x16xf32, #tpu.memory_space<vmem_shared>>)
        tpu.yield
      }) : () -> ()
      "tpu.region"() ({
        %run_scoped3A = tpu.sem_alloc : memref<!tpu.dma_semaphore, #tpu.memory_space<semaphore_mem>>
        %dma_start3A_92 = arith.constant 0 : i32
        %dma_start3A_93 = arith.constant 0 : i32
        %dma_start3A_94 = tpu.memref_slice %arg15[%dma_start3A_92, %dma_start3A_93] : memref<10000x128xf32, #tpu.memory_space<vmem_shared>> -> memref<10000x128xf32, #tpu.memory_space<vmem_shared>>
        tpu.enqueue_indirect_dma source(%arg14 : memref<80x128xf32, #tpu.memory_space<vmem>>) target(%dma_start3A_94 : memref<10000x128xf32, #tpu.memory_space<vmem_shared>>) offsets(%arg10 : memref<80xi32, #tpu.memory_space<vmem>>) semaphore(%run_scoped3A : memref<!tpu.dma_semaphore, #tpu.memory_space<semaphore_mem>>) {add = true}
        %dma_wait3A_95 = arith.constant 0 : i32
        %dma_wait3A_96 = arith.constant 0 : i32
        %dma_wait3A_97 = tpu.memref_slice %arg15[%dma_wait3A_95, %dma_wait3A_96] : memref<10000x128xf32, #tpu.memory_space<vmem_shared>> -> memref<10000x128xf32, #tpu.memory_space<vmem_shared>>
        tpu.wait_indirect_dma semaphore(%run_scoped3A : memref<!tpu.dma_semaphore, #tpu.memory_space<semaphore_mem>>) src(%arg14 : memref<80x128xf32, #tpu.memory_space<vmem>>) dst(%dma_wait3A_97 : memref<10000x128xf32, #tpu.memory_space<vmem_shared>>)
        tpu.yield
      }) : () -> ()
    }
    %scan3A_44 = arith.constant 125 : i32
    %barrier3A_45 = arith.constant 0 : index
    tpu.barrier barrier_id(%barrier3A_45)
    %mul3A_46 = arith.constant 625 : i32
    %mul3A_47 = arith.muli %arg1, %mul3A_46 : i32
    %add3A_48 = arith.constant 0 : i32
    %add3A_49 = arith.addi %mul3A_47, %add3A_48 : i32
    "tpu.region"() ({
      %run_scoped3A = tpu.sem_alloc : memref<!tpu.dma_semaphore, #tpu.memory_space<semaphore_mem>>
      %dma_start3A = arith.constant 0 : i32
      %dma_start3A_66 = tpu.memref_slice %arg7[%arg0, %add3A_49, %dma_start3A] : memref<2x10000x128xf32, #tpu.memory_space<hbm>> -> memref<1x125x128xf32, #tpu.memory_space<hbm>>
      %dma_start3A_67 = tpu.memref_squeeze %dma_start3A_66 : memref<1x125x128xf32, #tpu.memory_space<hbm>> -> memref<125x128xf32, #tpu.memory_space<hbm>>
      %dma_start3A_68 = arith.constant 0 : i32
      %dma_start3A_69 = tpu.memref_slice %arg15[%add3A_49, %dma_start3A_68] : memref<10000x128xf32, #tpu.memory_space<vmem_shared>> -> memref<125x128xf32, #tpu.memory_space<vmem_shared>>
      tpu.enqueue_dma source(%dma_start3A_69 : memref<125x128xf32, #tpu.memory_space<vmem_shared>>) target(%dma_start3A_67 : memref<125x128xf32, #tpu.memory_space<hbm>>) target_semaphore(%run_scoped3A : memref<!tpu.dma_semaphore, #tpu.memory_space<semaphore_mem>>)
      %dma_wait3A = arith.constant 0 : i32
      %dma_wait3A_70 = tpu.memref_slice %arg7[%arg0, %add3A_49, %dma_wait3A] : memref<2x10000x128xf32, #tpu.memory_space<hbm>> -> memref<1x125x128xf32, #tpu.memory_space<hbm>>
      %dma_wait3A_71 = tpu.memref_squeeze %dma_wait3A_70 : memref<1x125x128xf32, #tpu.memory_space<hbm>> -> memref<125x128xf32, #tpu.memory_space<hbm>>
      %dma_wait3A_72 = arith.constant 0 : i32
      %dma_wait3A_73 = tpu.memref_slice %arg15[%add3A_49, %dma_wait3A_72] : memref<10000x128xf32, #tpu.memory_space<vmem_shared>> -> memref<125x128xf32, #tpu.memory_space<vmem_shared>>
      tpu.wait_dma2 semaphore(%run_scoped3A : memref<!tpu.dma_semaphore, #tpu.memory_space<semaphore_mem>>) src(%dma_wait3A_73 : memref<125x128xf32, #tpu.memory_space<vmem_shared>>) dst(%dma_wait3A_71 : memref<125x128xf32, #tpu.memory_space<hbm>>)
      tpu.yield
    }) : () -> ()
    "tpu.region"() ({
      %run_scoped3A = tpu.sem_alloc : memref<!tpu.dma_semaphore, #tpu.memory_space<semaphore_mem>>
      %dma_start3A = arith.constant 0 : i32
      %dma_start3A_66 = tpu.memref_slice %arg8[%arg0, %add3A_49, %dma_start3A] : memref<2x10000x16xf32, #tpu.memory_space<hbm>> -> memref<1x125x16xf32, #tpu.memory_space<hbm>>
      %dma_start3A_67 = tpu.memref_squeeze %dma_start3A_66 : memref<1x125x16xf32, #tpu.memory_space<hbm>> -> memref<125x16xf32, #tpu.memory_space<hbm>>
      %dma_start3A_68 = arith.constant 0 : i32
      %dma_start3A_69 = tpu.memref_slice %arg16[%add3A_49, %dma_start3A_68] : memref<10000x16xf32, #tpu.memory_space<vmem_shared>> -> memref<125x16xf32, #tpu.memory_space<vmem_shared>>
      tpu.enqueue_dma source(%dma_start3A_69 : memref<125x16xf32, #tpu.memory_space<vmem_shared>>) target(%dma_start3A_67 : memref<125x16xf32, #tpu.memory_space<hbm>>) target_semaphore(%run_scoped3A : memref<!tpu.dma_semaphore, #tpu.memory_space<semaphore_mem>>)
      %dma_wait3A = arith.constant 0 : i32
      %dma_wait3A_70 = tpu.memref_slice %arg8[%arg0, %add3A_49, %dma_wait3A] : memref<2x10000x16xf32, #tpu.memory_space<hbm>> -> memref<1x125x16xf32, #tpu.memory_space<hbm>>
      %dma_wait3A_71 = tpu.memref_squeeze %dma_wait3A_70 : memref<1x125x16xf32, #tpu.memory_space<hbm>> -> memref<125x16xf32, #tpu.memory_space<hbm>>
      %dma_wait3A_72 = arith.constant 0 : i32
      %dma_wait3A_73 = tpu.memref_slice %arg16[%add3A_49, %dma_wait3A_72] : memref<10000x16xf32, #tpu.memory_space<vmem_shared>> -> memref<125x16xf32, #tpu.memory_space<vmem_shared>>
      tpu.wait_dma2 semaphore(%run_scoped3A : memref<!tpu.dma_semaphore, #tpu.memory_space<semaphore_mem>>) src(%dma_wait3A_73 : memref<125x16xf32, #tpu.memory_space<vmem_shared>>) dst(%dma_wait3A_71 : memref<125x16xf32, #tpu.memory_space<hbm>>)
      tpu.yield
    }) : () -> ()
    %mul3A_50 = arith.constant 625 : i32
    %mul3A_51 = arith.muli %arg1, %mul3A_50 : i32
    %add3A_52 = arith.constant 125 : i32
    %add3A_53 = arith.addi %mul3A_51, %add3A_52 : i32
    "tpu.region"() ({
      %run_scoped3A = tpu.sem_alloc : memref<!tpu.dma_semaphore, #tpu.memory_space<semaphore_mem>>
      %dma_start3A = arith.constant 0 : i32
      %dma_start3A_66 = tpu.memref_slice %arg7[%arg0, %add3A_53, %dma_start3A] : memref<2x10000x128xf32, #tpu.memory_space<hbm>> -> memref<1x125x128xf32, #tpu.memory_space<hbm>>
      %dma_start3A_67 = tpu.memref_squeeze %dma_start3A_66 : memref<1x125x128xf32, #tpu.memory_space<hbm>> -> memref<125x128xf32, #tpu.memory_space<hbm>>
      %dma_start3A_68 = arith.constant 0 : i32
      %dma_start3A_69 = tpu.memref_slice %arg15[%add3A_53, %dma_start3A_68] : memref<10000x128xf32, #tpu.memory_space<vmem_shared>> -> memref<125x128xf32, #tpu.memory_space<vmem_shared>>
      tpu.enqueue_dma source(%dma_start3A_69 : memref<125x128xf32, #tpu.memory_space<vmem_shared>>) target(%dma_start3A_67 : memref<125x128xf32, #tpu.memory_space<hbm>>) target_semaphore(%run_scoped3A : memref<!tpu.dma_semaphore, #tpu.memory_space<semaphore_mem>>)
      %dma_wait3A = arith.constant 0 : i32
      %dma_wait3A_70 = tpu.memref_slice %arg7[%arg0, %add3A_53, %dma_wait3A] : memref<2x10000x128xf32, #tpu.memory_space<hbm>> -> memref<1x125x128xf32, #tpu.memory_space<hbm>>
      %dma_wait3A_71 = tpu.memref_squeeze %dma_wait3A_70 : memref<1x125x128xf32, #tpu.memory_space<hbm>> -> memref<125x128xf32, #tpu.memory_space<hbm>>
      %dma_wait3A_72 = arith.constant 0 : i32
      %dma_wait3A_73 = tpu.memref_slice %arg15[%add3A_53, %dma_wait3A_72] : memref<10000x128xf32, #tpu.memory_space<vmem_shared>> -> memref<125x128xf32, #tpu.memory_space<vmem_shared>>
      tpu.wait_dma2 semaphore(%run_scoped3A : memref<!tpu.dma_semaphore, #tpu.memory_space<semaphore_mem>>) src(%dma_wait3A_73 : memref<125x128xf32, #tpu.memory_space<vmem_shared>>) dst(%dma_wait3A_71 : memref<125x128xf32, #tpu.memory_space<hbm>>)
      tpu.yield
    }) : () -> ()
    "tpu.region"() ({
      %run_scoped3A = tpu.sem_alloc : memref<!tpu.dma_semaphore, #tpu.memory_space<semaphore_mem>>
      %dma_start3A = arith.constant 0 : i32
      %dma_start3A_66 = tpu.memref_slice %arg8[%arg0, %add3A_53, %dma_start3A] : memref<2x10000x16xf32, #tpu.memory_space<hbm>> -> memref<1x125x16xf32, #tpu.memory_space<hbm>>
      %dma_start3A_67 = tpu.memref_squeeze %dma_start3A_66 : memref<1x125x16xf32, #tpu.memory_space<hbm>> -> memref<125x16xf32, #tpu.memory_space<hbm>>
      %dma_start3A_68 = arith.constant 0 : i32
      %dma_start3A_69 = tpu.memref_slice %arg16[%add3A_53, %dma_start3A_68] : memref<10000x16xf32, #tpu.memory_space<vmem_shared>> -> memref<125x16xf32, #tpu.memory_space<vmem_shared>>
      tpu.enqueue_dma source(%dma_start3A_69 : memref<125x16xf32, #tpu.memory_space<vmem_shared>>) target(%dma_start3A_67 : memref<125x16xf32, #tpu.memory_space<hbm>>) target_semaphore(%run_scoped3A : memref<!tpu.dma_semaphore, #tpu.memory_space<semaphore_mem>>)
      %dma_wait3A = arith.constant 0 : i32
      %dma_wait3A_70 = tpu.memref_slice %arg8[%arg0, %add3A_53, %dma_wait3A] : memref<2x10000x16xf32, #tpu.memory_space<hbm>> -> memref<1x125x16xf32, #tpu.memory_space<hbm>>
      %dma_wait3A_71 = tpu.memref_squeeze %dma_wait3A_70 : memref<1x125x16xf32, #tpu.memory_space<hbm>> -> memref<125x16xf32, #tpu.memory_space<hbm>>
      %dma_wait3A_72 = arith.constant 0 : i32
      %dma_wait3A_73 = tpu.memref_slice %arg16[%add3A_53, %dma_wait3A_72] : memref<10000x16xf32, #tpu.memory_space<vmem_shared>> -> memref<125x16xf32, #tpu.memory_space<vmem_shared>>
      tpu.wait_dma2 semaphore(%run_scoped3A : memref<!tpu.dma_semaphore, #tpu.memory_space<semaphore_mem>>) src(%dma_wait3A_73 : memref<125x16xf32, #tpu.memory_space<vmem_shared>>) dst(%dma_wait3A_71 : memref<125x16xf32, #tpu.memory_space<hbm>>)
      tpu.yield
    }) : () -> ()
    %mul3A_54 = arith.constant 625 : i32
    %mul3A_55 = arith.muli %arg1, %mul3A_54 : i32
    %add3A_56 = arith.constant 250 : i32
    %add3A_57 = arith.addi %mul3A_55, %add3A_56 : i32
    "tpu.region"() ({
      %run_scoped3A = tpu.sem_alloc : memref<!tpu.dma_semaphore, #tpu.memory_space<semaphore_mem>>
      %dma_start3A = arith.constant 0 : i32
      %dma_start3A_66 = tpu.memref_slice %arg7[%arg0, %add3A_57, %dma_start3A] : memref<2x10000x128xf32, #tpu.memory_space<hbm>> -> memref<1x125x128xf32, #tpu.memory_space<hbm>>
      %dma_start3A_67 = tpu.memref_squeeze %dma_start3A_66 : memref<1x125x128xf32, #tpu.memory_space<hbm>> -> memref<125x128xf32, #tpu.memory_space<hbm>>
      %dma_start3A_68 = arith.constant 0 : i32
      %dma_start3A_69 = tpu.memref_slice %arg15[%add3A_57, %dma_start3A_68] : memref<10000x128xf32, #tpu.memory_space<vmem_shared>> -> memref<125x128xf32, #tpu.memory_space<vmem_shared>>
      tpu.enqueue_dma source(%dma_start3A_69 : memref<125x128xf32, #tpu.memory_space<vmem_shared>>) target(%dma_start3A_67 : memref<125x128xf32, #tpu.memory_space<hbm>>) target_semaphore(%run_scoped3A : memref<!tpu.dma_semaphore, #tpu.memory_space<semaphore_mem>>)
      %dma_wait3A = arith.constant 0 : i32
      %dma_wait3A_70 = tpu.memref_slice %arg7[%arg0, %add3A_57, %dma_wait3A] : memref<2x10000x128xf32, #tpu.memory_space<hbm>> -> memref<1x125x128xf32, #tpu.memory_space<hbm>>
      %dma_wait3A_71 = tpu.memref_squeeze %dma_wait3A_70 : memref<1x125x128xf32, #tpu.memory_space<hbm>> -> memref<125x128xf32, #tpu.memory_space<hbm>>
      %dma_wait3A_72 = arith.constant 0 : i32
      %dma_wait3A_73 = tpu.memref_slice %arg15[%add3A_57, %dma_wait3A_72] : memref<10000x128xf32, #tpu.memory_space<vmem_shared>> -> memref<125x128xf32, #tpu.memory_space<vmem_shared>>
      tpu.wait_dma2 semaphore(%run_scoped3A : memref<!tpu.dma_semaphore, #tpu.memory_space<semaphore_mem>>) src(%dma_wait3A_73 : memref<125x128xf32, #tpu.memory_space<vmem_shared>>) dst(%dma_wait3A_71 : memref<125x128xf32, #tpu.memory_space<hbm>>)
      tpu.yield
    }) : () -> ()
    "tpu.region"() ({
      %run_scoped3A = tpu.sem_alloc : memref<!tpu.dma_semaphore, #tpu.memory_space<semaphore_mem>>
      %dma_start3A = arith.constant 0 : i32
      %dma_start3A_66 = tpu.memref_slice %arg8[%arg0, %add3A_57, %dma_start3A] : memref<2x10000x16xf32, #tpu.memory_space<hbm>> -> memref<1x125x16xf32, #tpu.memory_space<hbm>>
      %dma_start3A_67 = tpu.memref_squeeze %dma_start3A_66 : memref<1x125x16xf32, #tpu.memory_space<hbm>> -> memref<125x16xf32, #tpu.memory_space<hbm>>
      %dma_start3A_68 = arith.constant 0 : i32
      %dma_start3A_69 = tpu.memref_slice %arg16[%add3A_57, %dma_start3A_68] : memref<10000x16xf32, #tpu.memory_space<vmem_shared>> -> memref<125x16xf32, #tpu.memory_space<vmem_shared>>
      tpu.enqueue_dma source(%dma_start3A_69 : memref<125x16xf32, #tpu.memory_space<vmem_shared>>) target(%dma_start3A_67 : memref<125x16xf32, #tpu.memory_space<hbm>>) target_semaphore(%run_scoped3A : memref<!tpu.dma_semaphore, #tpu.memory_space<semaphore_mem>>)
      %dma_wait3A = arith.constant 0 : i32
      %dma_wait3A_70 = tpu.memref_slice %arg8[%arg0, %add3A_57, %dma_wait3A] : memref<2x10000x16xf32, #tpu.memory_space<hbm>> -> memref<1x125x16xf32, #tpu.memory_space<hbm>>
      %dma_wait3A_71 = tpu.memref_squeeze %dma_wait3A_70 : memref<1x125x16xf32, #tpu.memory_space<hbm>> -> memref<125x16xf32, #tpu.memory_space<hbm>>
      %dma_wait3A_72 = arith.constant 0 : i32
      %dma_wait3A_73 = tpu.memref_slice %arg16[%add3A_57, %dma_wait3A_72] : memref<10000x16xf32, #tpu.memory_space<vmem_shared>> -> memref<125x16xf32, #tpu.memory_space<vmem_shared>>
      tpu.wait_dma2 semaphore(%run_scoped3A : memref<!tpu.dma_semaphore, #tpu.memory_space<semaphore_mem>>) src(%dma_wait3A_73 : memref<125x16xf32, #tpu.memory_space<vmem_shared>>) dst(%dma_wait3A_71 : memref<125x16xf32, #tpu.memory_space<hbm>>)
      tpu.yield
    }) : () -> ()
    %mul3A_58 = arith.constant 625 : i32
    %mul3A_59 = arith.muli %arg1, %mul3A_58 : i32
    %add3A_60 = arith.constant 375 : i32
    %add3A_61 = arith.addi %mul3A_59, %add3A_60 : i32
    "tpu.region"() ({
      %run_scoped3A = tpu.sem_alloc : memref<!tpu.dma_semaphore, #tpu.memory_space<semaphore_mem>>
      %dma_start3A = arith.constant 0 : i32
      %dma_start3A_66 = tpu.memref_slice %arg7[%arg0, %add3A_61, %dma_start3A] : memref<2x10000x128xf32, #tpu.memory_space<hbm>> -> memref<1x125x128xf32, #tpu.memory_space<hbm>>
      %dma_start3A_67 = tpu.memref_squeeze %dma_start3A_66 : memref<1x125x128xf32, #tpu.memory_space<hbm>> -> memref<125x128xf32, #tpu.memory_space<hbm>>
      %dma_start3A_68 = arith.constant 0 : i32
      %dma_start3A_69 = tpu.memref_slice %arg15[%add3A_61, %dma_start3A_68] : memref<10000x128xf32, #tpu.memory_space<vmem_shared>> -> memref<125x128xf32, #tpu.memory_space<vmem_shared>>
      tpu.enqueue_dma source(%dma_start3A_69 : memref<125x128xf32, #tpu.memory_space<vmem_shared>>) target(%dma_start3A_67 : memref<125x128xf32, #tpu.memory_space<hbm>>) target_semaphore(%run_scoped3A : memref<!tpu.dma_semaphore, #tpu.memory_space<semaphore_mem>>)
      %dma_wait3A = arith.constant 0 : i32
      %dma_wait3A_70 = tpu.memref_slice %arg7[%arg0, %add3A_61, %dma_wait3A] : memref<2x10000x128xf32, #tpu.memory_space<hbm>> -> memref<1x125x128xf32, #tpu.memory_space<hbm>>
      %dma_wait3A_71 = tpu.memref_squeeze %dma_wait3A_70 : memref<1x125x128xf32, #tpu.memory_space<hbm>> -> memref<125x128xf32, #tpu.memory_space<hbm>>
      %dma_wait3A_72 = arith.constant 0 : i32
      %dma_wait3A_73 = tpu.memref_slice %arg15[%add3A_61, %dma_wait3A_72] : memref<10000x128xf32, #tpu.memory_space<vmem_shared>> -> memref<125x128xf32, #tpu.memory_space<vmem_shared>>
      tpu.wait_dma2 semaphore(%run_scoped3A : memref<!tpu.dma_semaphore, #tpu.memory_space<semaphore_mem>>) src(%dma_wait3A_73 : memref<125x128xf32, #tpu.memory_space<vmem_shared>>) dst(%dma_wait3A_71 : memref<125x128xf32, #tpu.memory_space<hbm>>)
      tpu.yield
    }) : () -> ()
    "tpu.region"() ({
      %run_scoped3A = tpu.sem_alloc : memref<!tpu.dma_semaphore, #tpu.memory_space<semaphore_mem>>
      %dma_start3A = arith.constant 0 : i32
      %dma_start3A_66 = tpu.memref_slice %arg8[%arg0, %add3A_61, %dma_start3A] : memref<2x10000x16xf32, #tpu.memory_space<hbm>> -> memref<1x125x16xf32, #tpu.memory_space<hbm>>
      %dma_start3A_67 = tpu.memref_squeeze %dma_start3A_66 : memref<1x125x16xf32, #tpu.memory_space<hbm>> -> memref<125x16xf32, #tpu.memory_space<hbm>>
      %dma_start3A_68 = arith.constant 0 : i32
      %dma_start3A_69 = tpu.memref_slice %arg16[%add3A_61, %dma_start3A_68] : memref<10000x16xf32, #tpu.memory_space<vmem_shared>> -> memref<125x16xf32, #tpu.memory_space<vmem_shared>>
      tpu.enqueue_dma source(%dma_start3A_69 : memref<125x16xf32, #tpu.memory_space<vmem_shared>>) target(%dma_start3A_67 : memref<125x16xf32, #tpu.memory_space<hbm>>) target_semaphore(%run_scoped3A : memref<!tpu.dma_semaphore, #tpu.memory_space<semaphore_mem>>)
      %dma_wait3A = arith.constant 0 : i32
      %dma_wait3A_70 = tpu.memref_slice %arg8[%arg0, %add3A_61, %dma_wait3A] : memref<2x10000x16xf32, #tpu.memory_space<hbm>> -> memref<1x125x16xf32, #tpu.memory_space<hbm>>
      %dma_wait3A_71 = tpu.memref_squeeze %dma_wait3A_70 : memref<1x125x16xf32, #tpu.memory_space<hbm>> -> memref<125x16xf32, #tpu.memory_space<hbm>>
      %dma_wait3A_72 = arith.constant 0 : i32
      %dma_wait3A_73 = tpu.memref_slice %arg16[%add3A_61, %dma_wait3A_72] : memref<10000x16xf32, #tpu.memory_space<vmem_shared>> -> memref<125x16xf32, #tpu.memory_space<vmem_shared>>
      tpu.wait_dma2 semaphore(%run_scoped3A : memref<!tpu.dma_semaphore, #tpu.memory_space<semaphore_mem>>) src(%dma_wait3A_73 : memref<125x16xf32, #tpu.memory_space<vmem_shared>>) dst(%dma_wait3A_71 : memref<125x16xf32, #tpu.memory_space<hbm>>)
      tpu.yield
    }) : () -> ()
    %mul3A_62 = arith.constant 625 : i32
    %mul3A_63 = arith.muli %arg1, %mul3A_62 : i32
    %add3A_64 = arith.constant 500 : i32
    %add3A_65 = arith.addi %mul3A_63, %add3A_64 : i32
    "tpu.region"() ({
      %run_scoped3A = tpu.sem_alloc : memref<!tpu.dma_semaphore, #tpu.memory_space<semaphore_mem>>
      %dma_start3A = arith.constant 0 : i32
      %dma_start3A_66 = tpu.memref_slice %arg7[%arg0, %add3A_65, %dma_start3A] : memref<2x10000x128xf32, #tpu.memory_space<hbm>> -> memref<1x125x128xf32, #tpu.memory_space<hbm>>
      %dma_start3A_67 = tpu.memref_squeeze %dma_start3A_66 : memref<1x125x128xf32, #tpu.memory_space<hbm>> -> memref<125x128xf32, #tpu.memory_space<hbm>>
      %dma_start3A_68 = arith.constant 0 : i32
      %dma_start3A_69 = tpu.memref_slice %arg15[%add3A_65, %dma_start3A_68] : memref<10000x128xf32, #tpu.memory_space<vmem_shared>> -> memref<125x128xf32, #tpu.memory_space<vmem_shared>>
      tpu.enqueue_dma source(%dma_start3A_69 : memref<125x128xf32, #tpu.memory_space<vmem_shared>>) target(%dma_start3A_67 : memref<125x128xf32, #tpu.memory_space<hbm>>) target_semaphore(%run_scoped3A : memref<!tpu.dma_semaphore, #tpu.memory_space<semaphore_mem>>)
      %dma_wait3A = arith.constant 0 : i32
      %dma_wait3A_70 = tpu.memref_slice %arg7[%arg0, %add3A_65, %dma_wait3A] : memref<2x10000x128xf32, #tpu.memory_space<hbm>> -> memref<1x125x128xf32, #tpu.memory_space<hbm>>
      %dma_wait3A_71 = tpu.memref_squeeze %dma_wait3A_70 : memref<1x125x128xf32, #tpu.memory_space<hbm>> -> memref<125x128xf32, #tpu.memory_space<hbm>>
      %dma_wait3A_72 = arith.constant 0 : i32
      %dma_wait3A_73 = tpu.memref_slice %arg15[%add3A_65, %dma_wait3A_72] : memref<10000x128xf32, #tpu.memory_space<vmem_shared>> -> memref<125x128xf32, #tpu.memory_space<vmem_shared>>
      tpu.wait_dma2 semaphore(%run_scoped3A : memref<!tpu.dma_semaphore, #tpu.memory_space<semaphore_mem>>) src(%dma_wait3A_73 : memref<125x128xf32, #tpu.memory_space<vmem_shared>>) dst(%dma_wait3A_71 : memref<125x128xf32, #tpu.memory_space<hbm>>)
      tpu.yield
    }) : () -> ()
    "tpu.region"() ({
      %run_scoped3A = tpu.sem_alloc : memref<!tpu.dma_semaphore, #tpu.memory_space<semaphore_mem>>
      %dma_start3A = arith.constant 0 : i32
      %dma_start3A_66 = tpu.memref_slice %arg8[%arg0, %add3A_65, %dma_start3A] : memref<2x10000x16xf32, #tpu.memory_space<hbm>> -> memref<1x125x16xf32, #tpu.memory_space<hbm>>
      %dma_start3A_67 = tpu.memref_squeeze %dma_start3A_66 : memref<1x125x16xf32, #tpu.memory_space<hbm>> -> memref<125x16xf32, #tpu.memory_space<hbm>>
      %dma_start3A_68 = arith.constant 0 : i32
      %dma_start3A_69 = tpu.memref_slice %arg16[%add3A_65, %dma_start3A_68] : memref<10000x16xf32, #tpu.memory_space<vmem_shared>> -> memref<125x16xf32, #tpu.memory_space<vmem_shared>>
      tpu.enqueue_dma source(%dma_start3A_69 : memref<125x16xf32, #tpu.memory_space<vmem_shared>>) target(%dma_start3A_67 : memref<125x16xf32, #tpu.memory_space<hbm>>) target_semaphore(%run_scoped3A : memref<!tpu.dma_semaphore, #tpu.memory_space<semaphore_mem>>)
      %dma_wait3A = arith.constant 0 : i32
      %dma_wait3A_70 = tpu.memref_slice %arg8[%arg0, %add3A_65, %dma_wait3A] : memref<2x10000x16xf32, #tpu.memory_space<hbm>> -> memref<1x125x16xf32, #tpu.memory_space<hbm>>
      %dma_wait3A_71 = tpu.memref_squeeze %dma_wait3A_70 : memref<1x125x16xf32, #tpu.memory_space<hbm>> -> memref<125x16xf32, #tpu.memory_space<hbm>>
      %dma_wait3A_72 = arith.constant 0 : i32
      %dma_wait3A_73 = tpu.memref_slice %arg16[%add3A_65, %dma_wait3A_72] : memref<10000x16xf32, #tpu.memory_space<vmem_shared>> -> memref<125x16xf32, #tpu.memory_space<vmem_shared>>
      tpu.wait_dma2 semaphore(%run_scoped3A : memref<!tpu.dma_semaphore, #tpu.memory_space<semaphore_mem>>) src(%dma_wait3A_73 : memref<125x16xf32, #tpu.memory_space<vmem_shared>>) dst(%dma_wait3A_71 : memref<125x16xf32, #tpu.memory_space<hbm>>)
      tpu.yield
    }) : () -> ()
    return
  }
}

module attributes {stable_mosaic.version = 14 : i64} {
  func.func @_prep_body(%arg0: i32, %arg1: memref<1000x128xf32, #tpu.memory_space<vmem>>, %arg2: memref<128x32xf32, #tpu.memory_space<vmem>>, %arg3: memref<1000x32xf32, #tpu.memory_space<vmem>>) attributes {dimension_semantics = [#tpu.dimension_semantics<arbitrary>], iteration_bounds = array<i64: 10>, scalar_prefetch = 0 : i64, scratch_operands = 0 : i64, tpu.core_type = #tpu.core_type<tc>, window_params = [{transform_indices = @transform_0, window_bounds = array<i64: 1000, 128>}, {pipeline_mode = #tpu.pipeline_mode<synchronous>, transform_indices = @transform_1, window_bounds = array<i64: 128, 32>}, {transform_indices = @transform_2, window_bounds = array<i64: 1000, 32>}]} {
    %get3A = arith.constant 0 : index
    %get3A_0 = arith.constant 0 : index
    %get3A_1 = vector.load %arg1[%get3A, %get3A_0] : memref<1000x128xf32, #tpu.memory_space<vmem>>, vector<1000x128xf32>
    %get3A_2 = arith.constant 0 : index
    %get3A_3 = arith.constant 0 : index
    %get3A_4 = vector.load %arg2[%get3A_2, %get3A_3] : memref<128x32xf32, #tpu.memory_space<vmem>>, vector<128x32xf32>
    %dot_general3A = arith.constant dense<0.000000e+00> : vector<1000x32xf32>
    %dot_general3A_5 = tpu.matmul %get3A_1, %get3A_4, %dot_general3A {dimension_numbers = #tpu.dot_dimension_numbers<[1], [0], [0], [1], [0, 0, 1, 1], [], []>, transpose_lhs_hint = false} : vector<1000x128xf32>, vector<128x32xf32>, vector<1000x32xf32> -> vector<1000x32xf32>
    %swap3A = arith.constant 0 : index
    %swap3A_6 = arith.constant 0 : index
    %swap3A_7 = vector.load %arg3[%swap3A, %swap3A_6] : memref<1000x32xf32, #tpu.memory_space<vmem>>, vector<1000x32xf32>
    tpu.vector_store %arg3[%swap3A, %swap3A_6], %dot_general3A_5 {strides = array<i32>} : memref<1000x32xf32, #tpu.memory_space<vmem>>, vector<1000x32xf32>,
    return
  }
  func.func @transform_0(%arg0: i32) -> (i32, i32) {
    %c0_i32 = arith.constant 0 : i32
    %c0_i32_0 = arith.constant 0 : i32
    return %arg0, %c0_i32 : i32, i32
  }
  func.func @transform_1(%arg0: i32) -> (i32, i32) {
    %c0_i32 = arith.constant 0 : i32
    %c0_i32_0 = arith.constant 0 : i32
    %c0_i32_1 = arith.constant 0 : i32
    return %c0_i32, %c0_i32_0 : i32, i32
  }
  func.func @transform_2(%arg0: i32) -> (i32, i32) {
    %c0_i32 = arith.constant 0 : i32
    %c0_i32_0 = arith.constant 0 : i32
    return %arg0, %c0_i32 : i32, i32
  }
}

module attributes {stable_mosaic.version = 14 : i64} {
  func.func @_final_body(%arg0: i32, %arg1: memref<2x1000x128xf32, #tpu.memory_space<vmem>>, %arg2: memref<2x1000x16xf32, #tpu.memory_space<vmem>>, %arg3: memref<16x128xf32, #tpu.memory_space<vmem>>, %arg4: memref<1000x128xf32, #tpu.memory_space<vmem>>) attributes {dimension_semantics = [#tpu.dimension_semantics<arbitrary>], iteration_bounds = array<i64: 10>, scalar_prefetch = 0 : i64, scratch_operands = 0 : i64, tpu.core_type = #tpu.core_type<tc>, window_params = [{transform_indices = @transform_0, window_bounds = array<i64: 2, 1000, 128>}, {transform_indices = @transform_1, window_bounds = array<i64: 2, 1000, 16>}, {pipeline_mode = #tpu.pipeline_mode<synchronous>, transform_indices = @transform_2, window_bounds = array<i64: 16, 128>}, {transform_indices = @transform_3, window_bounds = array<i64: 1000, 128>}]} {
    %get3A = arith.constant 0 : index
    %get3A_0 = arith.constant 0 : index
    %get3A_1 = arith.constant 0 : index
    %get3A_2 = vector.load %arg1[%get3A, %get3A_0, %get3A_1] : memref<2x1000x128xf32, #tpu.memory_space<vmem>>, vector<1x1000x128xf32>
    %get3A_3 = vector.shape_cast %get3A_2 : vector<1x1000x128xf32> to vector<1000x128xf32>
    %get3A_4 = arith.constant 1 : index
    %get3A_5 = arith.constant 0 : index
    %get3A_6 = arith.constant 0 : index
    %get3A_7 = vector.load %arg1[%get3A_4, %get3A_5, %get3A_6] : memref<2x1000x128xf32, #tpu.memory_space<vmem>>, vector<1x1000x128xf32>
    %get3A_8 = vector.shape_cast %get3A_7 : vector<1x1000x128xf32> to vector<1000x128xf32>
    %add3A = arith.addf %get3A_3, %get3A_8 : vector<1000x128xf32>
    %get3A_9 = arith.constant 0 : index
    %get3A_10 = arith.constant 0 : index
    %get3A_11 = arith.constant 0 : index
    %get3A_12 = vector.load %arg2[%get3A_9, %get3A_10, %get3A_11] : memref<2x1000x16xf32, #tpu.memory_space<vmem>>, vector<1x1000x16xf32>
    %get3A_13 = vector.shape_cast %get3A_12 : vector<1x1000x16xf32> to vector<1000x16xf32>
    %get3A_14 = arith.constant 1 : index
    %get3A_15 = arith.constant 0 : index
    %get3A_16 = arith.constant 0 : index
    %get3A_17 = vector.load %arg2[%get3A_14, %get3A_15, %get3A_16] : memref<2x1000x16xf32, #tpu.memory_space<vmem>>, vector<1x1000x16xf32>
    %get3A_18 = vector.shape_cast %get3A_17 : vector<1x1000x16xf32> to vector<1000x16xf32>
    %add3A_19 = arith.addf %get3A_13, %get3A_18 : vector<1000x16xf32>
    %get3A_20 = arith.constant 0 : index
    %get3A_21 = arith.constant 0 : index
    %get3A_22 = vector.load %arg3[%get3A_20, %get3A_21] : memref<16x128xf32, #tpu.memory_space<vmem>>, vector<16x128xf32>
    %dot_general3A = arith.constant dense<0.000000e+00> : vector<1000x128xf32>
    %dot_general3A_23 = tpu.matmul %add3A_19, %get3A_22, %dot_general3A {dimension_numbers = #tpu.dot_dimension_numbers<[1], [0], [0], [1], [0, 0, 1, 1], [], []>, transpose_lhs_hint = false} : vector<1000x16xf32>, vector<16x128xf32>, vector<1000x128xf32> -> vector<1000x128xf32>
    %add3A_24 = arith.constant 1.000000e-16 : f32
    %add3A_25 = vector.broadcast %add3A_24 : f32 to vector<1000x128xf32>
    %add3A_26 = arith.addf %dot_general3A_23, %add3A_25 : vector<1000x128xf32>
    %div3A = arith.divf %add3A, %add3A_26 : vector<1000x128xf32>
    %swap3A = arith.constant 0 : index
    %swap3A_27 = arith.constant 0 : index
    %swap3A_28 = vector.load %arg4[%swap3A, %swap3A_27] : memref<1000x128xf32, #tpu.memory_space<vmem>>, vector<1000x128xf32>
    tpu.vector_store %arg4[%swap3A, %swap3A_27], %div3A {strides = array<i32>} : memref<1000x128xf32, #tpu.memory_space<vmem>>, vector<1000x128xf32>,
    return
  }
  func.func @transform_0(%arg0: i32) -> (i32, i32, i32) {
    %c0_i32 = arith.constant 0 : i32
    %c0_i32_0 = arith.constant 0 : i32
    %c0_i32_1 = arith.constant 0 : i32
    return %c0_i32, %arg0, %c0_i32_0 : i32, i32, i32
  }
  func.func @transform_1(%arg0: i32) -> (i32, i32, i32) {
    %c0_i32 = arith.constant 0 : i32
    %c0_i32_0 = arith.constant 0 : i32
    %c0_i32_1 = arith.constant 0 : i32
    return %c0_i32, %arg0, %c0_i32_0 : i32, i32, i32
  }
  func.func @transform_2(%arg0: i32) -> (i32, i32) {
    %c0_i32 = arith.constant 0 : i32
    %c0_i32_0 = arith.constant 0 : i32
    %c0_i32_1 = arith.constant 0 : i32
    return %c0_i32, %c0_i32_0 : i32, i32
  }
  func.func @transform_3(%arg0: i32) -> (i32, i32) {
    %c0_i32 = arith.constant 0 : i32
    %c0_i32_0 = arith.constant 0 : i32
    return %arg0, %c0_i32 : i32, i32
  }
}

</mosaic_0001>

<sc_bundles>
// kernel: kernel.5.cloned.1.call-start
scs
__scs_entry_jumppad:
0x0: {  	(pc) =	sbr.rel $0x88, $3  }
0x1: {  	(tag) =	ssettag $0x0;
	lr =	simm.s32 $0x1  }
0x2: {  	[smem:$0x3F9D] =	sst lr;
	_ =	strace $0xD0000000  }
0x3: {  	_ = 	snop  }
0x4: {  	_ = 	snop  }
0x5: {  	_ = 	snop  }
0x6: {  	_ = 	snop  }
0x7: {  	_ = 	snop  }
__scs_overlays_trampoline_lowered:
0x8: {  	[smem:$0x3FAC] =	sst s0  }
0x9: {  	[smem:$0x3FAD] =	sst s1  }
0xa: {  	[smem:$0x3FAE] =	sst s2  }
0xb: {  	[smem:$0x3FAF] =	sst s3  }
0xc: {  	[smem:$0x3FB0] =	sst s4  }
0xd: {  	[smem:$0x3FB1] =	sst s5  }
0xe: {  	[smem:$0x3FB2] =	sst s6  }
0xf: {  	[smem:$0x3FB3] =	sst s7  }
0x10: {  	[smem:$0x3FB4] =	sst s8  }
0x11: {  	[smem:$0x3FB5] =	sst s9;
	s0 =	simm.s32 @!p0 $0x0  }
0x12: {  	s1 =	sld [smem:$0x3F9B];
	s0 =	simm.s32 @p0 $0x1  }
0x13: {  	[smem:$0x3FB6] =	sst s0;
	s0 =	simm.s32 @!p1 $0x0  }
0x14: {  	s2 =	sld [smem:$0x3F9A];
	s0 =	simm.s32 @p1 $0x1  }
0x15: {  	[smem:$0x3FB7] =	sst s0;
	s0 =	simm.s32 @!p2 $0x0  }
0x16: {  	s3 =	sld [smem:$0x3FDB];
	s0 =	simm.s32 @p2 $0x1  }
0x17: {  	s4 =	simm.s32 $0x1BF5;
	[smem:$0x3FB9] =	sst s0  }
0x18: {  	s0 =	sld [smem:$0x3F9C];
	_ =	swait.ge [sflag:s4], $0x0  }
0x19: {  	s7 =	sld [smem:$0x3F9D]  }
0x1a: {  	s8 =	sadd.s32 $0xFFFFE003, lr  }
0x1b: {  	s9 =	sadd.s32 $0xFFFFFEF7, lr;
	s5 =	simm.s32 $0xFFFFFFFF;
	p2 =	slt.u32 s8, $0xFFFFF086  }
0x1c: {  	p1 =	slt.u32 s9, $0xF7A;
	s5 =	simm.s32 @!p2 $0x0  }
0x1d: {  	s5 =	simm.s32 @p1 $0x1;
	p0 =	seq.s32 s7, s2  }
0x1e: {  	s7 =	smul.u32 @!p0 $0xF7A, s2;
	p2 =	seq.s32 @!p0 s5, $0x0  }
0x1f: {  	s9 =	smul.u32 $0xF7A, s1;
	s8 =	simm.s32 @!p0 $0x1BF5;
	p2 =	por !p2, p0  }
0x20: {  	[sflag:s8] =	ssyncset.s32 @!p0 $0xFFFFF086;
	s6 =	sadd.s32 @!p0 s3, s7;
	s7 =	simm.s32 @!p0 $0x108  }
0x21: {  	s3 =	sadd.s32 s3, s9;
	s6 =	sadd.s32 @!p0 $0x88, s6;
	s7 =	simm.s32 @p2 $0x1082  }
0x22: {  	[simem:s7], [sflag:s8] =	dma.local @!p0 [hbm:s6], $0xF7A  }
0x23: {  	s9 =	sor.u32 $0xD0000000, s2;
	s6 =	simm.s32 $0x108;
	_ =	swait.ge @!p0 [sflag:s8], $0x0  }
0x24: {  	s3 =	sadd.s32 $0x88, s3;
	s6 =	simm.s32 @!p1 $0x1082;
	[sflag:s4] =	ssyncset.s32 $0xFFFFF086  }
0x25: {  	[simem:s6], [sflag:s4] =	dma.local [hbm:s3], $0xF7A  }
0x26: {  	[smem:$0x3F9D] =	sst s1;
	(tag) =	ssettag s2;
	_ =	strace s9  }
0x27: {  	s1 =	sld [smem:$0x3FAD]  }
0x28: {  	s2 =	sld [smem:$0x3FAE]  }
0x29: {  	s4 =	sld [smem:$0x3FB0]  }
0x2a: {  	p0 =	seq.s32 s5, $0x0;
	s5 =	sld [smem:$0x3FB1]  }
0x2b: {  	s6 =	sld [smem:$0x3FB2]  }
0x2c: {  	s7 =	sld [smem:$0x3FB3]  }
0x2d: {  	s3 =	simm.s32 $0x108;
	s8 =	sld [smem:$0x3FB4]  }
0x2e: {  	s3 =	simm.s32 @!p0 $0x1082;
	s9 =	sld [smem:$0x3FB5]  }
0x2f: {  	lr =	sadd.s32 s0, s3;
	s0 =	sld [smem:$0x3FAC]  }
0x30: {  	s3 =	sld [smem:$0x3FAF]  }
0x31: {  	[smem:$0x3FB8] =	sst s10  }
0x32: {  	s10 =	sld [smem:$0x3FB6];
	_ =	sdelay $0x3  }
0x33: {  	p0 =	seq.s32 s10, $0x1;
	s10 =	sld [smem:$0x3FB8];
	_ =	sdelay $0x3  }
0x34: {  	[smem:$0x3FB8] =	sst s10  }
0x35: {  	s10 =	sld [smem:$0x3FB7];
	_ =	sdelay $0x3  }
0x36: {  	p1 =	seq.s32 s10, $0x1;
	s10 =	sld [smem:$0x3FB8];
	_ =	sdelay $0x3  }
0x37: {  	[smem:$0x3FB8] =	sst s10  }
0x38: {  	s10 =	sld [smem:$0x3FB9]  }
0x39: {  	_ = 	snop;
	(pc) =	sbr.ind lr, $3  }
0x3a: {  	_ = 	snop  }
0x3b: {  	_ = 	snop  }
0x3c: {  	p2 =	seq.s32 s10, $0x1;
	s10 =	sld [smem:$0x3FB8]  }
0x3d: {  	_ =	shalt  }
0x3e: {  	_ =	shalt  }
0x3f: {  	_ =	shalt  }
0x40: {  	_ =	shalt  }
0x41: {  	_ =	shalt  }
0x42: {  	_ =	shalt  }
0x43: {  	_ =	shalt  }
0x44: {  	_ =	shalt  }
0x45: {  	_ =	shalt  }
0x46: {  	_ =	shalt  }
0x47: {  	_ =	shalt  }
0x48: {  	_ =	shalt  }
0x49: {  	_ =	shalt  }
0x4a: {  	_ =	shalt  }
0x4b: {  	_ =	shalt  }
0x4c: {  	_ =	shalt  }
0x4d: {  	_ =	shalt  }
0x4e: {  	_ =	shalt  }
0x4f: {  	_ =	shalt  }
0x50: {  	_ =	shalt  }
0x51: {  	_ =	shalt  }
0x52: {  	_ =	shalt  }
0x53: {  	_ =	shalt  }
0x54: {  	_ =	shalt  }
0x55: {  	_ =	shalt  }
0x56: {  	_ =	shalt  }
0x57: {  	_ =	shalt  }
0x58: {  	_ =	shalt  }
0x59: {  	_ =	shalt  }
0x5a: {  	_ =	shalt  }
0x5b: {  	_ =	shalt  }
0x5c: {  	_ =	shalt  }
0x5d: {  	_ =	shalt  }
0x5e: {  	_ =	shalt  }
0x5f: {  	_ =	shalt  }
0x60: {  	_ =	shalt  }
0x61: {  	_ =	shalt  }
0x62: {  	_ =	shalt  }
0x63: {  	_ =	shalt  }
0x64: {  	_ =	shalt  }
0x65: {  	_ =	shalt  }
0x66: {  	_ =	shalt  }
0x67: {  	_ =	shalt  }
0x68: {  	_ =	shalt  }
0x69: {  	_ =	shalt  }
0x6a: {  	_ =	shalt  }
0x6b: {  	_ =	shalt  }
0x6c: {  	_ =	shalt  }
0x6d: {  	_ =	shalt  }
0x6e: {  	_ =	shalt  }
0x6f: {  	_ =	shalt  }
0x70: {  	_ =	shalt  }
0x71: {  	_ =	shalt  }
0x72: {  	_ =	shalt  }
0x73: {  	_ =	shalt  }
0x74: {  	_ =	shalt  }
0x75: {  	_ =	shalt  }
0x76: {  	_ =	shalt  }
0x77: {  	_ =	shalt  }
0x78: {  	_ =	shalt  }
0x79: {  	_ =	shalt  }
0x7a: {  	_ =	shalt  }
0x7b: {  	_ =	shalt  }
0x7c: {  	_ =	shalt  }
0x7d: {  	_ =	shalt  }
0x7e: {  	_ =	shalt  }
0x7f: {  	_ =	shalt  }
0x80: {  	_ =	shalt  }
0x81: {  	_ =	shalt  }
0x82: {  	_ =	shalt  }
0x83: {  	_ =	shalt  }
0x84: {  	_ =	shalt  }
0x85: {  	_ =	shalt  }
0x86: {  	_ =	shalt  }
0x87: {  	_ =	shalt  }
.Lfunc_end0:
.L_simem_size_0:
called_computation_lowered:
.L_overlay_start_0:
0x88: {  	s2 =	sld [smem:$0x3FD9]  }
0x89: {  	s3 =	sld [smem:$0x3FFE];
	_ =	sdelay $0x1  }
0x8a: {  	s1 =	srdreg.scid  }
0x8b: {  	s0 =	sand.u32 $0x1, s1  }
0x8c: {  	s17 =	sshll.u32 s0, $0xA;
	s2 =	sadd.s32 s3, s2  }
0x8d: {  	s2 =	sadd.s32 s2, s17  }
0x8e: {  	[smem:$0x3FC4] =	sst s2  }
0x8f: {  	_ = 	snop  }
0x90: {  	s2 =	sld [smem:$0x3FC9]  }
0x91: {  	s18 =	sld [smem:$0x3FD0];
	(tm) =	ssettm $0x1  }
0x92: {  	s4 =	sld [smem:$0x3FFB];
	_ =	sdelay $0x3  }
0x93: {  	_ =	strace s4  }
0x94: {  	s4 =	sld [smem:$0x3FFC];
	_ =	sdelay $0x3  }
0x95: {  	_ =	strace s4  }
0x96: {  	s4 =	sld [smem:$0x3FFD];
	_ =	sdelay $0x3  }
0x97: {  	_ =	strace s4  }
0x98: {  	_ =	strace $0x8FFFFFFF  }
0x99: {  	s19 =	sld [smem:$0x3FDB];
	_ =	sdelay $0x1  }
0x9a: {  	s5 =	simm.s32 $_scs_section_size  }
0x9b: {  	s6 =	simm.s32 $_size__tile_overlayer_lowered;
	s7 =	simm.s32 $_tile_overlayer_lowered  }
0x9c: {  	s22 =	simm.s32 $0x1BFF;
	s21 =	sshll.u32 s7, $0x1;
	s4 =	sadd.s32 s5, s19  }
0x9d: {  	s8 =	simm.s32 $0x0;
	s20 =	sshll.u32 s6, $0x1;
	s6 =	sadd.s32 s21, s4  }
0x9e: {  	[timem:s8], [sflag:s22] =	dma.local [hbm:s6], s20  }
0x9f: {  	_ =	swait.ge [sflag:s22], s20  }
0xa0: {  	s5 =	ssub.s32 $0x0, s20;
	[sflag:s22] =	ssyncset.done $0x0  }
0xa1: {  	[sflag:s22] =	ssyncadd.s32 s5;
	_ =	sdelay $0x1  }
0xa2: {  	s23 =	simm.s32 $0x1B8B  }
0xa3: {  	_ =	swait.ge [sflag:s23], $0x1  }
0xa4: {  	[sflag:s23] =	ssyncset.done $0x0  }
0xa5: {  	s25 =	simm.s32 $0x1B8E;
	s24 =	sld [smem:$0x3FFE];
	[sflag:s23] =	ssyncadd.s32 $0xFFFFFFFF  }
0xa6: {  	s26 =	simm.s32 $execute0_lowered;
	[smem:$0x3FD2] =	sst s25  }
0xa7: {  	s6 =	sshll.u32 s26, $0x1;
	_ =	strace $0x80000046;
	[dreg:$0x1] =	wrdreg $0xFFFFFFFF  }
0xa8: {  	s28 =	simm.s32 $_size_execute0_lowered;
	s4 =	sadd.s32 s4, s6;
	[dreg:$0x0] =	wrdreg $0x0  }
0xa9: {  	s6 =	sshll.u32 s28, $0x1;
	[dreg:$0x2] =	wrdreg s4  }
0xaa: {  	[dreg:$0x3] =	wrdreg s6  }
0xab: {  	[dreg:$0x4] =	wrdreg $0xC0  }
0xac: {  	_ =	task [dreg:s8], $0x5FFFF  }
0xad: {  	[dreg:$0x1] =	wrdreg $0xFFFFFFFF  }
0xae: {  	[dreg:$0x0] =	wrdreg $0x60  }
0xaf: {  	[dreg:$0x2] =	wrdreg s24  }
0xb0: {  	[dreg:$0x3] =	wrdreg s2  }
0xb1: {  	[dreg:$0x4] =	wrdreg s18  }
0xb2: {  	[dreg:$0x5] =	wrdreg $0x5AA00  }
0xb3: {  	[dreg:$0x6] =	wrdreg $0x193200  }
0xb4: {  	[dreg:$0x7] =	wrdreg $0x9  }
0xb5: {  	_ =	task.clear_ibuf [dreg:s8], $0x8FFFF;
	_ =	strace $0x90000046  }
0xb6: {  	s29 =	simm.s32 $0x9;
	_ =	strace $0x80000048  }
0xb7: {  	_ =	swait.ge [sflag:s29], $0x1  }
0xb8: {  	[sflag:s29] =	ssyncadd.s32 $0xFFFFFFFF  }
0xb9: {  	_ =	strace $0x90000048  }
0xba: {  	_ =	sfence  }
0xbb: {  	s30 =	sld [smem:$0x0];
	_ =	sdelay $0x2  }
0xbc: {  	s31 =	sshll.u32 s1, $0xD;
	s1 =	sshrl.u32 s1, $0x2  }
0xbd: {  	s3 =	sand.u32 $0x4000, s31;
	s1 =	sadd.s32 s1, s30  }
0xbe: {  	s0 =	sor.u32 s3, s0;
	s1 =	sshll.u32 s1, $0x11  }
0xbf: {  	s0 =	sor.u32 s1, s0  }
0xc0: {  	s0 =	sadd.s32 $0x8F2B, s0  }
0xc1: {  	[sflag:s0] =	ssyncadd.remote.s32 $0x1  }
0xc2: {  	_ =	sfence.sel $0xFFFF  }
0xc3: {  	[dreg:$0x0] =	wrdreg $0xFFFFFFFF;
	(pc) =	sbr.abs _section_cstart, $3  }
0xc4: {  	[dreg:$0x1] =	wrdreg $0xFFFFFFFF  }
0xc5: {  	_ =	task.clear_ibuf [dreg:s8], $0x2FFFF;
	_ =	strace $0x9FFFFFFF  }
0xc6: {  	(tm) =	ssettm $0x7FFFFFFF  }
0xc7: {  	_ =	shalt  }
tec
execute0_lowered:
.L_overlay_start_1:
0x0: {  	(tag) =	ssettag $0x1  }
0x1: {  	s5 =	rddreg [dreg:$0x0]  }
0x2: {  	s1 =	simm.s32 $0x0;
	s6 =	stileid.u32;
	s0 =	srdreg.scid  }
0x3: {  	s28 =	simm.s32 $0xA0;
	s29 =	simm.s32 $0x50;
	s2 =	smul.u32 $0x271, s6  }
0x4: {  	s30 =	simm.s32 $0x1;
	s31 =	simm.s32 $0x5A0;
	s15 =	smul.u32 $0x13880, s6  }
0x5: {  	[smem:$0x7FF] =	sst s1;
	s3 =	sand.u32 $0x1, s0;
	s16 =	smul.u32 $0x2710, s6  }
0x6: {  	s9 =	sadd.s32 $0x1E400, s5;
	s17 =	sadd.s32 $0x14600, s5;
	s11 =	smul.u32 $0x138800, s3  }
0x7: {  	s6 =	sshll.u32 s6, $0x1;
	s0 =	ssub.s32 $0x2, s3;
	s14 =	smul.u32 $0x27100, s3  }
0x8: {  	s3 =	sor.u32 s3, s6;
	s4 =	sshrl.u32 s0, $0x1;
	s20 =	sadd.s32 s15, s11  }
0x9: {  	s7 =	sadd.s32 $0x7D, s2;
	s0 =	ssub.s32 s0, s4;
	s4 =	sshrl.u32 s20, $0x3  }
0xa: {  	s12 =	sadd.s32 $0xFA, s2;
	s19 =	sadd.s32 $0x177, s2;
	s4 =	sadd.s32 s9, s4  }
0xb: {  	s21 =	sadd.s32 s16, s14;
	[dreg:$0x6] =	wrdreg s4;
	s4 =	sshll.u32 s7, $0x7  }
0xc: {  	s10 =	sshll.u32 s19, $0x7;
	s6 =	sshrl.u32 s21, $0x3;
	s8 =	sadd.s32 s11, s4  }
0xd: {  	s20 =	sadd.s32 $0x1F4, s2;
	s6 =	sadd.s32 s17, s6;
	s22 =	sshrl.u32 s8, $0x3  }
0xe: {  	[dreg:$0x7] =	wrdreg s6;
	s6 =	sshll.u32 s7, $0x4;
	s7 =	sadd.s32 s9, s22  }
0xf: {  	s21 =	sadd.s32 s11, s10;
	[dreg:$0x8] =	wrdreg s7;
	s7 =	sshll.u32 s12, $0x7  }
0x10: {  	s0 =	smax.u32 s0, $0x1;
	s8 =	sshll.u32 s20, $0x7;
	s24 =	sadd.s32 s11, s7  }
0x11: {  	s25 =	sshrl.u32 s21, $0x3;
	s11 =	sadd.s32 s11, s8;
	s13 =	sshrl.u32 s24, $0x3  }
0x12: {  	s23 =	sadd.s32 s14, s6;
	s11 =	sshrl.u32 s11, $0x3;
	s13 =	sadd.s32 s9, s13  }
0x13: {  	[dreg:$0x9] =	wrdreg s13;
	s13 =	sshll.u32 s12, $0x4;
	s12 =	sadd.s32 s9, s25  }
0x14: {  	s18 =	sshrl.u32 s23, $0x3;
	s9 =	sadd.s32 s9, s11;
	[dreg:$0xa] =	wrdreg s12  }
0x15: {  	s23 =	sshll.u32 s20, $0x4;
	s22 =	sshll.u32 s19, $0x4;
	[dreg:$0xb] =	wrdreg s9  }
0x16: {  	s21 =	sadd.s32 s14, s22;
	s24 =	sadd.s32 s14, s23;
	s9 =	rddreg [dreg:$0x1]  }
0x17: {  	s26 =	sadd.s32 s14, s13;
	s12 =	sadd.s32 s17, s18;
	s14 =	rddreg [dreg:$0x4]  }
0x18: {  	s19 =	sadd.s32 $0x800, s5;
	s25 =	sshrl.u32 s24, $0x3;
	[dreg:$0xc] =	wrdreg s12  }
0x19: {  	s18 =	sshrl.u32 s26, $0x3;
	s12 =	rddreg [dreg:$0x3];
	s26 =	sadd.s32 $0x50, s2  }
0x1a: {  	s6 =	sadd.s32 s6, s14;
	s22 =	sadd.s32 s22, s14;
	s11 =	sadd.s32 s17, s18  }
0x1b: {  	s18 =	sshrl.u32 s21, $0x3;
	s20 =	sadd.s32 s15, s12;
	s21 =	sadd.s32 s16, s14  }
0x1c: {  	s24 =	sshll.u32 s26, $0x7;
	s4 =	sadd.s32 s4, s12;
	s7 =	sadd.s32 s7, s12  }
0x1d: {  	s8 =	sadd.s32 s8, s12;
	s22 =	sshrl.u32 s22, $0x3;
	[dreg:$0xd] =	wrdreg s11  }
0x1e: {  	s11 =	rddreg [dreg:$0x2];
	s18 =	sadd.s32 s17, s18;
	s17 =	sadd.s32 s17, s25  }
0x1f: {  	s15 =	sadd.s32 s24, s12;
	s25 =	sadd.s32 $0xA0, s2;
	[dreg:$0xe] =	wrdreg s18  }
0x20: {  	s24 =	sadd.s32 $0xF0, s2;
	[dreg:$0xf] =	wrdreg s17;
	s17 =	sadd.s32 $0xF600, s5  }
0x21: {  	s18 =	sadd.s32 $0xA600, s5;
	s5 =	sshll.u32 s26, $0x4;
	s26 =	sshll.u32 s25, $0x7  }
0x22: {  	_ =	strace $0x80000047;
	[dreg:$0x10] =	wrdreg s15;
	s5 =	sadd.s32 s5, s14  }
0x23: {  	s15 =	sshll.u32 s25, $0x4;
	s25 =	sshll.u32 s24, $0x7;
	[dreg:$0x1e] =	wrdreg s0  }
0x24: {  	s0 =	simm.s32 $0xAA0;
	[dreg:$0x11] =	wrdreg s5;
	s5 =	sadd.s32 s26, s12  }
0x25: {  	s16 =	sadd.s32 s15, s14;
	s26 =	sadd.s32 $0x140, s2;
	[dreg:$0x12] =	wrdreg s5  }
0x26: {  	s15 =	sadd.s32 s25, s12;
	[dreg:$0x13] =	wrdreg s16;
	s5 =	sshll.u32 s24, $0x4  }
0x27: {  	s24 =	sshll.u32 s26, $0x7;
	s25 =	sshll.u32 s26, $0x4;
	s26 =	sadd.s32 $0x190, s2  }
0x28: {  	[dreg:$0x14] =	wrdreg s15;
	s5 =	sadd.s32 s5, s14;
	s16 =	sshll.u32 s26, $0x7  }
0x29: {  	[dreg:$0x15] =	wrdreg s5;
	s5 =	sadd.s32 s24, s12;
	s24 =	sadd.s32 $0x1E0, s2  }
0x2a: {  	s2 =	sadd.s32 $0x230, s2;
	[dreg:$0x16] =	wrdreg s5;
	s5 =	sadd.s32 s25, s14  }
0x2b: {  	s25 =	sshll.u32 s26, $0x4;
	s26 =	sshll.u32 s24, $0x7;
	s24 =	sshll.u32 s24, $0x4  }
0x2c: {  	[dreg:$0x17] =	wrdreg s5;
	s5 =	sadd.s32 s16, s12;
	s15 =	sadd.s32 s26, s12  }
0x2d: {  	s16 =	sadd.s32 s10, s12;
	[dreg:$0x18] =	wrdreg s5;
	s5 =	sadd.s32 s25, s14  }
0x2e: {  	[dreg:$0x1a] =	wrdreg s15;
	s25 =	sshll.u32 s2, $0x7;
	s2 =	sshll.u32 s2, $0x4  }
0x2f: {  	s15 =	sadd.s32 s13, s14;
	[dreg:$0x19] =	wrdreg s5;
	s5 =	sadd.s32 s24, s14  }
0x30: {  	s13 =	sadd.s32 s23, s14;
	s26 =	sadd.s32 s25, s12;
	[dreg:$0x1b] =	wrdreg s5  }
0x31: {  	s16 =	sshrl.u32 s16, $0x3;
	s2 =	sadd.s32 s2, s14;
	[dreg:$0x1c] =	wrdreg s26  }
0x32: {  	s23 =	sshrl.u32 s8, $0x3;
	s24 =	sshrl.u32 s4, $0x3;
	[dreg:$0x1d] =	wrdreg s2  }
0x33: {  	s25 =	sshrl.u32 s6, $0x3;
	s15 =	sshrl.u32 s15, $0x3;
	[dreg:$0x1f] =	wrdreg s24  }
0x34: {  	s5 =	smul.u32 $0x7D, s3;
	[smem:$0x7FC] =	sst s25;
	s26 =	sshrl.u32 s7, $0x3  }
0x35: {  	s24 =	sshrl.u32 s13, $0x3;
	s25 =	simm.s32 $0x32A0;
	s13 =	simm.s32 $0x2  }
0x36: {  	v0 =	vimm.f32 $0.0e+00;
	s2 =	simm.s32 $0x3;
	[smem:$0x7FD] =	sst s26;
	s26 =	simm.s32 $0x4  }
.LBB2_1:
0x37: {  	s3 =	simm.s32 $0x32E0  }
0x38: {  	[tilespmem:s3+$0xFFFFFFD0] =	vst v0  }
0x39: {  	[tilespmem:s3+$0xFFFFFFE0] =	vst v0  }
0x3a: {  	[tilespmem:s3+$0xFFFFFFF0] =	vst v0  }
0x3b: {  	[tilespmem:s3+$0x0] =	vst v0  }
0x3c: {  	[tilespmem:s3+$0x10] =	vst v0  }
0x3d: {  	[tilespmem:s3+$0x20] =	vst v0  }
0x3e: {  	[tilespmem:s3+$0x30] =	vst v0  }
0x3f: {  	s6 =	simm.s32 $0x0;
	s4 =	simm.s32 $0x40;
	[tilespmem:s3+$0xFFFFFFC0] =	vst v0  }
.LBB2_2:
0x40: {  	p0 =	sne.s32 s4, $0x13C0;
	[tilespmem:s6+$0xA0] =	vst v0;
	s3 =	sadd.s32 $0x80, s3  }
0x41: {  	[tilespmem:s3+$0xFFFFFFD0] =	vst v0  }
0x42: {  	[tilespmem:s3+$0xFFFFFFE0] =	vst v0  }
0x43: {  	[tilespmem:s3+$0xFFFFFFF0] =	vst v0  }
.Ltmp0:
0x44: {  	[tilespmem:s3+$0x0] =	vst v0;
	(pc) =	sbr.rel @p0 .LBB2_2-.Ltmp0, $4  }
0x45: {  	[tilespmem:s3+$0x10] =	vst v0  }
0x46: {  	[tilespmem:s3+$0x20] =	vst v0  }
0x47: {  	[tilespmem:s3+$0x30] =	vst v0  }
0x48: {  	s6 =	sshra.s32 s4, $0x2;
	s4 =	sadd.s32 $0x40, s4;
	[tilespmem:s3+$0xFFFFFFC0] =	vst v0  }
0x49: {  	[tilespmem:s6+$0xA0] =	vst v0  }
0x4a: {  	[spmem:s20] =	stream.linear.scatter [tilespmem:s25], [sflag:$0x4], $0x2800, $0x38;
	[tilespmem:$0x1BA30] =	vst v63  }
0x4b: {  	_ =	swait.ge [sflag:s26], $0x2800  }
0x4c: {  	[sflag:s26] =	ssyncset.done $0x0  }
0x4d: {  	[sflag:s26] =	ssyncadd.s32 $0xFFFFD800  }
0x4e: {  	[spmem:s21] =	stream.linear.scatter [tilespmem:s28], [sflag:$0x4], $0x500, $0x38;
	[tilespmem:$0x1BA30] =	vst v63  }
0x4f: {  	_ =	swait.ge [sflag:s26], $0x500  }
0x50: {  	[sflag:s26] =	ssyncset.done $0x0  }
0x51: {  	s3 =	rddreg [dreg:$0x10];
	[sflag:s26] =	ssyncadd.s32 $0xFFFFFB00  }
0x52: {  	[spmem:s3] =	stream.linear.scatter [tilespmem:s25], [sflag:$0x4], $0x2800, $0x38;
	[tilespmem:$0x1BA30] =	vst v63  }
0x53: {  	_ =	swait.ge [sflag:s26], $0x2800  }
0x54: {  	[sflag:s26] =	ssyncset.done $0x0  }
0x55: {  	s7 =	rddreg [dreg:$0x11];
	[sflag:s26] =	ssyncadd.s32 $0xFFFFD800  }
0x56: {  	[spmem:s7] =	stream.linear.scatter [tilespmem:s28], [sflag:$0x4], $0x500, $0x38;
	[tilespmem:$0x1BA30] =	vst v63  }
0x57: {  	_ =	swait.ge [sflag:s26], $0x500  }
0x58: {  	[sflag:s26] =	ssyncset.done $0x0  }
0x59: {  	s8 =	rddreg [dreg:$0x12];
	[sflag:s26] =	ssyncadd.s32 $0xFFFFFB00  }
0x5a: {  	[spmem:s8] =	stream.linear.scatter [tilespmem:s25], [sflag:$0x4], $0x2800, $0x38;
	[tilespmem:$0x1BA30] =	vst v63  }
0x5b: {  	_ =	swait.ge [sflag:s26], $0x2800  }
0x5c: {  	[sflag:s26] =	ssyncset.done $0x0  }
0x5d: {  	s10 =	rddreg [dreg:$0x13];
	[sflag:s26] =	ssyncadd.s32 $0xFFFFD800  }
0x5e: {  	[spmem:s10] =	stream.linear.scatter [tilespmem:s28], [sflag:$0x4], $0x500, $0x38;
	[tilespmem:$0x1BA30] =	vst v63  }
0x5f: {  	_ =	swait.ge [sflag:s26], $0x500  }
0x60: {  	[sflag:s26] =	ssyncset.done $0x0  }
0x61: {  	s4 =	rddreg [dreg:$0x14];
	[sflag:s26] =	ssyncadd.s32 $0xFFFFFB00  }
0x62: {  	[spmem:s4] =	stream.linear.scatter [tilespmem:s25], [sflag:$0x4], $0x2800, $0x38;
	[tilespmem:$0x1BA30] =	vst v63  }
0x63: {  	_ =	swait.ge [sflag:s26], $0x2800  }
0x64: {  	[sflag:s26] =	ssyncset.done $0x0  }
0x65: {  	s6 =	rddreg [dreg:$0x15];
	[sflag:s26] =	ssyncadd.s32 $0xFFFFD800  }
0x66: {  	[spmem:s6] =	stream.linear.scatter [tilespmem:s28], [sflag:$0x4], $0x500, $0x38;
	[tilespmem:$0x1BA30] =	vst v63  }
0x67: {  	_ =	swait.ge [sflag:s26], $0x500  }
0x68: {  	[sflag:s26] =	ssyncset.done $0x0  }
0x69: {  	s7 =	rddreg [dreg:$0x16];
	[sflag:s26] =	ssyncadd.s32 $0xFFFFFB00  }
0x6a: {  	[spmem:s7] =	stream.linear.scatter [tilespmem:s25], [sflag:$0x4], $0x2800, $0x38;
	[tilespmem:$0x1BA30] =	vst v63  }
0x6b: {  	_ =	swait.ge [sflag:s26], $0x2800  }
0x6c: {  	[sflag:s26] =	ssyncset.done $0x0  }
0x6d: {  	s8 =	rddreg [dreg:$0x17];
	[sflag:s26] =	ssyncadd.s32 $0xFFFFD800  }
0x6e: {  	[spmem:s8] =	stream.linear.scatter [tilespmem:s28], [sflag:$0x4], $0x500, $0x38;
	[tilespmem:$0x1BA30] =	vst v63  }
0x6f: {  	_ =	swait.ge [sflag:s26], $0x500  }
0x70: {  	[sflag:s26] =	ssyncset.done $0x0  }
0x71: {  	s10 =	rddreg [dreg:$0x18];
	[sflag:s26] =	ssyncadd.s32 $0xFFFFFB00  }
0x72: {  	[spmem:s10] =	stream.linear.scatter [tilespmem:s25], [sflag:$0x4], $0x2800, $0x38;
	[tilespmem:$0x1BA30] =	vst v63  }
0x73: {  	_ =	swait.ge [sflag:s26], $0x2800  }
0x74: {  	[sflag:s26] =	ssyncset.done $0x0  }
0x75: {  	s4 =	rddreg [dreg:$0x19];
	[sflag:s26] =	ssyncadd.s32 $0xFFFFD800  }
0x76: {  	[spmem:s4] =	stream.linear.scatter [tilespmem:s28], [sflag:$0x4], $0x500, $0x38;
	[tilespmem:$0x1BA30] =	vst v63  }
0x77: {  	_ =	swait.ge [sflag:s26], $0x500  }
0x78: {  	[sflag:s26] =	ssyncset.done $0x0  }
0x79: {  	s6 =	rddreg [dreg:$0x1a];
	[sflag:s26] =	ssyncadd.s32 $0xFFFFFB00  }
0x7a: {  	[spmem:s6] =	stream.linear.scatter [tilespmem:s25], [sflag:$0x4], $0x2800, $0x38;
	[tilespmem:$0x1BA30] =	vst v63  }
0x7b: {  	_ =	swait.ge [sflag:s26], $0x2800  }
0x7c: {  	[sflag:s26] =	ssyncset.done $0x0  }
0x7d: {  	s7 =	rddreg [dreg:$0x1b];
	[sflag:s26] =	ssyncadd.s32 $0xFFFFD800  }
0x7e: {  	[spmem:s7] =	stream.linear.scatter [tilespmem:s28], [sflag:$0x4], $0x500, $0x38;
	[tilespmem:$0x1BA30] =	vst v63  }
0x7f: {  	_ =	swait.ge [sflag:s26], $0x500  }
0x80: {  	[sflag:s26] =	ssyncset.done $0x0  }
0x81: {  	s8 =	rddreg [dreg:$0x1c];
	[sflag:s26] =	ssyncadd.s32 $0xFFFFFB00  }
0x82: {  	[spmem:s8] =	stream.linear.scatter [tilespmem:s25], [sflag:$0x4], $0x2080, $0x38;
	[tilespmem:$0x1BA30] =	vst v63  }
0x83: {  	_ =	swait.ge [sflag:s26], $0x2080  }
0x84: {  	[sflag:s26] =	ssyncset.done $0x0  }
0x85: {  	s10 =	rddreg [dreg:$0x1d];
	[sflag:s26] =	ssyncadd.s32 $0xFFFFDF80  }
0x86: {  	[spmem:s10] =	stream.linear.scatter [tilespmem:s28], [sflag:$0x4], $0x410, $0x38;
	[tilespmem:$0x1BA30] =	vst v63  }
0x87: {  	_ =	swait.ge [sflag:s26], $0x410  }
0x88: {  	[sflag:s26] =	ssyncset.done $0x0  }
0x89: {  	[sflag:s26] =	ssyncadd.s32 $0xFFFFFBF0  }
0x8a: {  	s3 =	simm.s32 $0x0;
	s4 =	simm.s32 $0x0;
	[bflag:$0x0] =	sbarrier.arrive $0xFFFF  }
.LBB2_4:
0x8b: {  	s6 =	sadd.s32 s5, s4  }
0x8c: {  	s6 =	smul.u32 $0xA, s6;
	_ =	sdelay $0x1  }
0x8d: {  	s7 =	sadd.s32 s19, s6  }
0x8e: {  	[tilespmem:s3], [sflag:$0x4] =	stream.linear.gather [hbm4b:s7+s3], $0x50, $0x38;
	[tilespmem:$0x1BA30] =	vst v63  }
0x8f: {  	_ =	swait.ge [sflag:s26], $0x50  }
0x90: {  	[sflag:s26] =	ssyncset.done $0x0  }
0x91: {  	s6 =	sadd.s32 s11, s6;
	[sflag:s26] =	ssyncadd.s32 $0xFFFFFFB0  }
0x92: {  	[tilespmem:s29], [sflag:$0x4] =	stream.linear.gather [hbm4b:s6+s3], $0x50, $0x38;
	[tilespmem:$0x1BA30] =	vst v63  }
0x93: {  	_ =	swait.ge [sflag:s26], $0x50  }
0x94: {  	[sflag:s26] =	ssyncset.done $0x0  }
0x95: {  	[sflag:s26] =	ssyncadd.s32 $0xFFFFFFB0  }
0x96: {  	[tilespmem:s28], [sflag:$0x1] =	stream.indirect.gather [hbm4b:s17+s29], $0x10, s3, s29, $0xb8;
	[tilespmem:$0x1BA30] =	vst v63  }
0x97: {  	_ =	swait.ge [sflag:s30], $0x500  }
0x98: {  	[sflag:s30] =	ssyncset.done $0x0  }
0x99: {  	[sflag:s30] =	ssyncadd.s32 $0xFFFFFB00  }
0x9a: {  	[tilespmem:s31], [sflag:$0x2] =	stream.indirect.gather [hbm4b:s18+s29], $0x10, s29, s29, $0xb8;
	[tilespmem:$0x1BA30] =	vst v63  }
0x9b: {  	_ =	swait.ge [sflag:s13], $0x500  }
0x9c: {  	[sflag:s13] =	ssyncset.done $0x0  }
0x9d: {  	[sflag:s13] =	ssyncadd.s32 $0xFFFFFB00  }
0x9e: {  	[tilespmem:s0], [sflag:$0x3] =	stream.indirect.gather [hbm4b:s9+s29], $0x80, s3, s29, $0xb8;
	[tilespmem:$0x1BA30] =	vst v63  }
0x9f: {  	_ =	swait.ge [sflag:s2], $0x2800  }
0xa0: {  	[sflag:s2] =	ssyncset.done $0x0  }
0xa1: {  	s10 =	simm.s32 $0x0;
	[sflag:s2] =	ssyncadd.s32 $0xFFFFD800  }
0xa2: {  	v1 =	vld [tilespmem:s10+$0xA0]  }
0xa3: {  	v2 =	vld [tilespmem:s10+$0x5A0];
	_ =	sdelay $0x4  }
0xa4: {  	v1 =	vadd.f32 v2, v1;
	_ =	sdelay $0x1  }
0xa5: {  	v2 =	vmul.f32 $2.000000030e-01, v1  }
0xa6: {  	vm0 =	vge.f32 v1, $0.0e+00  }
0xa7: {  	v1 =	vsel vm0, v1, v2  }
0xa8: {  	v1 =	vmul.f32 $1.442695020e+00, v1;
	_ =	sdelay $0x1  }
0xa9: {  	(erf) = vpow2.f32 v1;
	_ =	sdelay $0x8  }
0xaa: {  	v1 =	vpop (erf)  }
0xab: {  	s6 =	simm.s32 $0xAE0;
	[tilespmem:s10+$0xA0] =	vst v1  }
0xac: {  	v2 =	vld [tilespmem:s6+$0xFFFFFFC0];
	_ =	sdelay $0x2  }
0xad: {  	v3 =	vbroadcast v1, $0x0;
	_ =	sdelay $0x1  }
0xae: {  	v2 =	vmul.f32 v3, v2  }
0xaf: {  	s7 =	simm.s32 $0x32E0  }
0xb0: {  	[tilespmem:s7+$0xFFFFFFC0] =	vst v2  }
0xb1: {  	v2 =	vld [tilespmem:s6+$0xFFFFFFD0];
	_ =	sdelay $0x2  }
0xb2: {  	v3 =	vbroadcast v1, $0x1;
	_ =	sdelay $0x1  }
0xb3: {  	v2 =	vmul.f32 v3, v2;
	_ =	sdelay $0x1  }
0xb4: {  	[tilespmem:s7+$0xFFFFFFD0] =	vst v2  }
0xb5: {  	v2 =	vld [tilespmem:s6+$0xFFFFFFE0];
	_ =	sdelay $0x2  }
0xb6: {  	v3 =	vbroadcast v1, $0x2;
	_ =	sdelay $0x1  }
0xb7: {  	v2 =	vmul.f32 v3, v2;
	_ =	sdelay $0x1  }
0xb8: {  	[tilespmem:s7+$0xFFFFFFE0] =	vst v2  }
0xb9: {  	v2 =	vld [tilespmem:s6+$0xFFFFFFF0];
	_ =	sdelay $0x2  }
0xba: {  	v3 =	vbroadcast v1, $0x3;
	_ =	sdelay $0x1  }
0xbb: {  	v2 =	vmul.f32 v2, v3;
	_ =	sdelay $0x1  }
0xbc: {  	[tilespmem:s7+$0xFFFFFFF0] =	vst v2  }
0xbd: {  	v2 =	vld [tilespmem:s6+$0x0];
	_ =	sdelay $0x2  }
0xbe: {  	v3 =	vbroadcast v1, $0x4;
	_ =	sdelay $0x1  }
0xbf: {  	v2 =	vmul.f32 v2, v3;
	_ =	sdelay $0x1  }
0xc0: {  	[tilespmem:s7+$0x0] =	vst v2  }
0xc1: {  	v2 =	vld [tilespmem:s6+$0x10];
	_ =	sdelay $0x2  }
0xc2: {  	v3 =	vbroadcast v1, $0x5;
	_ =	sdelay $0x1  }
0xc3: {  	v2 =	vmul.f32 v2, v3;
	_ =	sdelay $0x1  }
0xc4: {  	[tilespmem:s7+$0x10] =	vst v2  }
0xc5: {  	v2 =	vld [tilespmem:s6+$0x20];
	_ =	sdelay $0x2  }
0xc6: {  	v3 =	vbroadcast v1, $0x6;
	_ =	sdelay $0x1  }
0xc7: {  	v2 =	vmul.f32 v2, v3;
	_ =	sdelay $0x1  }
0xc8: {  	[tilespmem:s7+$0x20] =	vst v2  }
0xc9: {  	v2 =	vld [tilespmem:s6+$0x30];
	_ =	sdelay $0x2  }
0xca: {  	v1 =	vbroadcast v1, $0x7;
	_ =	sdelay $0x1  }
0xcb: {  	v1 =	vmul.f32 v2, v1;
	_ =	sdelay $0x1  }
0xcc: {  	s10 =	simm.s32 $0x10;
	[tilespmem:s7+$0x30] =	vst v1  }
0xcd: {  	s8 =	simm.s32 $0x80;
	v1 =	vld [tilespmem:s10+$0xA0]  }
.LBB2_5:
0xce: {  	p0 =	sne.s32 s8, $0x13C0;
	v2 =	vld [tilespmem:s10+$0x5A0];
	_ =	sdelay $0x4  }
0xcf: {  	v1 =	vadd.f32 v2, v1;
	_ =	sdelay $0x1  }
0xd0: {  	v2 =	vmul.f32 $2.000000030e-01, v1  }
0xd1: {  	vm0 =	vge.f32 v1, $0.0e+00  }
0xd2: {  	v1 =	vsel vm0, v1, v2  }
0xd3: {  	v1 =	vmul.f32 $1.442695020e+00, v1;
	_ =	sdelay $0x1  }
0xd4: {  	(erf) = vpow2.f32 v1;
	_ =	sdelay $0x8  }
0xd5: {  	v1 =	vpop (erf)  }
0xd6: {  	s6 =	sadd.s32 $0x80, s6;
	[tilespmem:s10+$0xA0] =	vst v1;
	v2 =	vbroadcast v1, $0x1;
	v3 =	vbroadcast v1, $0x3  }
0xd7: {  	v5 =	vbroadcast v1, $0x5;
	v6 =	vbroadcast v1, $0x7;
	v4 =	vld [tilespmem:s6+$0xFFFFFFC0];
	_ =	sdelay $0x2  }
0xd8: {  	v7 =	vbroadcast v1, $0x0;
	_ =	sdelay $0x1  }
0xd9: {  	v4 =	vmul.f32 v7, v4  }
0xda: {  	s7 =	sadd.s32 $0x80, s7  }
0xdb: {  	[tilespmem:s7+$0xFFFFFFC0] =	vst v4  }
0xdc: {  	v4 =	vld [tilespmem:s6+$0xFFFFFFD0];
	_ =	sdelay $0x4  }
0xdd: {  	v2 =	vmul.f32 v2, v4;
	_ =	sdelay $0x1  }
0xde: {  	[tilespmem:s7+$0xFFFFFFD0] =	vst v2  }
0xdf: {  	v2 =	vld [tilespmem:s6+$0xFFFFFFE0];
	_ =	sdelay $0x2  }
0xe0: {  	v4 =	vbroadcast v1, $0x2;
	_ =	sdelay $0x1  }
0xe1: {  	v2 =	vmul.f32 v4, v2;
	_ =	sdelay $0x1  }
0xe2: {  	[tilespmem:s7+$0xFFFFFFE0] =	vst v2  }
0xe3: {  	v2 =	vld [tilespmem:s6+$0xFFFFFFF0];
	_ =	sdelay $0x4  }
0xe4: {  	v2 =	vmul.f32 v2, v3;
	_ =	sdelay $0x1  }
0xe5: {  	[tilespmem:s7+$0xFFFFFFF0] =	vst v2  }
0xe6: {  	v2 =	vld [tilespmem:s6+$0x0];
	_ =	sdelay $0x2  }
0xe7: {  	v3 =	vbroadcast v1, $0x4;
	_ =	sdelay $0x1  }
0xe8: {  	v2 =	vmul.f32 v2, v3;
	_ =	sdelay $0x1  }
0xe9: {  	[tilespmem:s7+$0x0] =	vst v2  }
0xea: {  	v2 =	vld [tilespmem:s6+$0x10];
	_ =	sdelay $0x4  }
0xeb: {  	v2 =	vmul.f32 v2, v5;
	_ =	sdelay $0x1  }
0xec: {  	[tilespmem:s7+$0x10] =	vst v2  }
0xed: {  	v2 =	vld [tilespmem:s6+$0x20];
	_ =	sdelay $0x2  }
0xee: {  	v1 =	vbroadcast v1, $0x6;
	_ =	sdelay $0x1  }
0xef: {  	v1 =	vmul.f32 v2, v1;
	_ =	sdelay $0x1  }
0xf0: {  	[tilespmem:s7+$0x20] =	vst v1  }
0xf1: {  	v1 =	vld [tilespmem:s6+$0x30];
	_ =	sdelay $0x3  }
.Ltmp1:
0xf2: {  	(pc) =	sbr.rel @p0 .LBB2_5-.Ltmp1, $3  }
0xf3: {  	v1 =	vmul.f32 v1, v6;
	_ =	sdelay $0x1  }
0xf4: {  	s10 =	sshra.s32 s8, $0x2;
	[tilespmem:s7+$0x30] =	vst v1  }
0xf5: {  	s8 =	sadd.s32 $0x40, s8;
	v1 =	vld [tilespmem:s10+$0xA0]  }
0xf6: {  	v2 =	vld [tilespmem:s10+$0x5A0];
	_ =	sdelay $0x4  }
0xf7: {  	v1 =	vadd.f32 v2, v1;
	_ =	sdelay $0x1  }
0xf8: {  	v2 =	vmul.f32 $2.000000030e-01, v1  }
0xf9: {  	vm0 =	vge.f32 v1, $0.0e+00  }
0xfa: {  	v1 =	vsel vm0, v1, v2  }
0xfb: {  	v1 =	vmul.f32 $1.442695020e+00, v1;
	_ =	sdelay $0x1  }
0xfc: {  	(erf) = vpow2.f32 v1;
	_ =	sdelay $0x8  }
0xfd: {  	v1 =	vpop (erf)  }
0xfe: {  	s6 =	sadd.s32 $0x80, s6;
	[tilespmem:s10+$0xA0] =	vst v1  }
0xff: {  	v2 =	vld [tilespmem:s6+$0xFFFFFFC0];
	_ =	sdelay $0x2  }
0x100: {  	v3 =	vbroadcast v1, $0x0;
	_ =	sdelay $0x1  }
0x101: {  	v2 =	vmul.f32 v3, v2  }
0x102: {  	s7 =	sadd.s32 $0x80, s7  }
0x103: {  	[tilespmem:s7+$0xFFFFFFC0] =	vst v2  }
0x104: {  	v2 =	vld [tilespmem:s6+$0xFFFFFFD0];
	_ =	sdelay $0x2  }
0x105: {  	v3 =	vbroadcast v1, $0x1;
	_ =	sdelay $0x1  }
0x106: {  	v2 =	vmul.f32 v3, v2;
	_ =	sdelay $0x1  }
0x107: {  	[tilespmem:s7+$0xFFFFFFD0] =	vst v2  }
0x108: {  	v2 =	vld [tilespmem:s6+$0xFFFFFFE0];
	_ =	sdelay $0x2  }
0x109: {  	v3 =	vbroadcast v1, $0x2;
	_ =	sdelay $0x1  }
0x10a: {  	v2 =	vmul.f32 v3, v2;
	_ =	sdelay $0x1  }
0x10b: {  	[tilespmem:s7+$0xFFFFFFE0] =	vst v2  }
0x10c: {  	v2 =	vld [tilespmem:s6+$0xFFFFFFF0];
	_ =	sdelay $0x2  }
0x10d: {  	v3 =	vbroadcast v1, $0x3;
	_ =	sdelay $0x1  }
0x10e: {  	v2 =	vmul.f32 v2, v3;
	_ =	sdelay $0x1  }
0x10f: {  	[tilespmem:s7+$0xFFFFFFF0] =	vst v2  }
0x110: {  	v2 =	vld [tilespmem:s6+$0x0];
	_ =	sdelay $0x2  }
0x111: {  	v3 =	vbroadcast v1, $0x4;
	_ =	sdelay $0x1  }
0x112: {  	v2 =	vmul.f32 v2, v3;
	_ =	sdelay $0x1  }
0x113: {  	[tilespmem:s7+$0x0] =	vst v2  }
0x114: {  	v2 =	vld [tilespmem:s6+$0x10];
	_ =	sdelay $0x2  }
0x115: {  	v3 =	vbroadcast v1, $0x5;
	_ =	sdelay $0x1  }
0x116: {  	v2 =	vmul.f32 v2, v3;
	_ =	sdelay $0x1  }
0x117: {  	[tilespmem:s7+$0x10] =	vst v2  }
0x118: {  	v2 =	vld [tilespmem:s6+$0x20];
	_ =	sdelay $0x2  }
0x119: {  	v3 =	vbroadcast v1, $0x6;
	_ =	sdelay $0x1  }
0x11a: {  	v2 =	vmul.f32 v2, v3;
	_ =	sdelay $0x1  }
0x11b: {  	[tilespmem:s7+$0x20] =	vst v2  }
0x11c: {  	v2 =	vld [tilespmem:s6+$0x30];
	_ =	sdelay $0x2  }
0x11d: {  	v1 =	vbroadcast v1, $0x7;
	_ =	sdelay $0x1  }
0x11e: {  	v1 =	vmul.f32 v2, v1;
	_ =	sdelay $0x1  }
0x11f: {  	[tilespmem:s7+$0x30] =	vst v1  }
0x120: {  	[spmem:s14] =	stream.indirect.scatter.add.f32 [tilespmem:s28], [sflag:$0x4], $0x10, s29, s29, $0xb8;
	[tilespmem:$0x1BA30] =	vst v63  }
0x121: {  	s4 =	sadd.s32 $0x1, s4;
	_ =	swait.ge [sflag:s26], $0x500  }
0x122: {  	p0 =	sne.s32 s4, $0x7D;
	[sflag:s26] =	ssyncset.done $0x0  }
.Ltmp2:
0x123: {  	[sflag:s26] =	ssyncadd.s32 $0xFFFFFB00;
	(pc) =	sbr.rel @p0 .LBB2_4-.Ltmp2, $4  }
0x124: {  	[spmem:s12] =	stream.indirect.scatter.add.f32 [tilespmem:s25], [sflag:$0x4], $0x80, s29, s29, $0xb8;
	[tilespmem:$0x1BA30] =	vst v63  }
0x125: {  	_ =	swait.ge [sflag:s26], $0x2800  }
0x126: {  	[sflag:s26] =	ssyncset.done $0x0  }
0x127: {  	[sflag:s26] =	ssyncadd.s32 $0xFFFFD800  }
0x128: {  	s3 =	stileid.u32  }
0x129: {  	[bflag:$0x0] =	sbarrier.arrive $0xFFFF;
	s3 =	sshll.u32 s3, $0x6  }
0x12a: {  	s4 =	sshrl.u32 s20, $0x3;
	s6 =	rddreg [dreg:$0x6];
	s3 =	sor.u32 $0x1C04, s3  }
0x12b: {  	[hbm:s6], [sflag:s3] =	dma.local [spmem:s4], $0x7D0  }
0x12c: {  	_ =	swait.ge [sflag:s26], $0x7D0  }
0x12d: {  	[sflag:s26] =	ssyncset.done $0x0  }
0x12e: {  	s8 =	sshrl.u32 s21, $0x3;
	s10 =	rddreg [dreg:$0x7];
	[sflag:s26] =	ssyncadd.s32 $0xFFFFF830  }
0x12f: {  	[hbm:s10], [sflag:s3] =	dma.local [spmem:s8], $0xFA  }
0x130: {  	_ =	swait.ge [sflag:s26], $0xFA  }
0x131: {  	[sflag:s26] =	ssyncset.done $0x0;
	s6 =	rddreg [dreg:$0x8]  }
0x132: {  	s7 =	rddreg [dreg:$0x1f];
	[sflag:s26] =	ssyncadd.s32 $0xFFFFFF06  }
0x133: {  	[hbm:s6], [sflag:s3] =	dma.local [spmem:s7], $0x7D0  }
0x134: {  	_ =	swait.ge [sflag:s26], $0x7D0  }
0x135: {  	s10 =	sld [smem:$0x7FC]  }
0x136: {  	[sflag:s26] =	ssyncset.done $0x0  }
0x137: {  	s8 =	rddreg [dreg:$0xc];
	[sflag:s26] =	ssyncadd.s32 $0xFFFFF830  }
0x138: {  	[hbm:s8], [sflag:s3] =	dma.local [spmem:s10], $0xFA  }
0x139: {  	_ =	swait.ge [sflag:s26], $0xFA  }
0x13a: {  	s7 =	sld [smem:$0x7FD]  }
0x13b: {  	[sflag:s26] =	ssyncset.done $0x0  }
0x13c: {  	s6 =	rddreg [dreg:$0x9];
	[sflag:s26] =	ssyncadd.s32 $0xFFFFFF06  }
0x13d: {  	[hbm:s6], [sflag:s3] =	dma.local [spmem:s7], $0x7D0  }
0x13e: {  	_ =	swait.ge [sflag:s26], $0x7D0  }
0x13f: {  	[sflag:s26] =	ssyncset.done $0x0  }
0x140: {  	s8 =	rddreg [dreg:$0xd];
	[sflag:s26] =	ssyncadd.s32 $0xFFFFF830  }
0x141: {  	[hbm:s8], [sflag:s3] =	dma.local [spmem:s15], $0xFA  }
0x142: {  	_ =	swait.ge [sflag:s26], $0xFA  }
0x143: {  	[sflag:s26] =	ssyncset.done $0x0  }
0x144: {  	s10 =	rddreg [dreg:$0xa];
	[sflag:s26] =	ssyncadd.s32 $0xFFFFFF06  }
0x145: {  	[hbm:s10], [sflag:s3] =	dma.local [spmem:s16], $0x7D0  }
0x146: {  	_ =	swait.ge [sflag:s26], $0x7D0  }
0x147: {  	[sflag:s26] =	ssyncset.done $0x0  }
0x148: {  	s6 =	rddreg [dreg:$0xe];
	[sflag:s26] =	ssyncadd.s32 $0xFFFFF830  }
0x149: {  	[hbm:s6], [sflag:s3] =	dma.local [spmem:s22], $0xFA  }
0x14a: {  	_ =	swait.ge [sflag:s26], $0xFA  }
0x14b: {  	[sflag:s26] =	ssyncset.done $0x0  }
0x14c: {  	s7 =	rddreg [dreg:$0xb];
	[sflag:s26] =	ssyncadd.s32 $0xFFFFFF06  }
0x14d: {  	[hbm:s7], [sflag:s3] =	dma.local [spmem:s23], $0x7D0  }
0x14e: {  	_ =	swait.ge [sflag:s26], $0x7D0  }
0x14f: {  	[sflag:s26] =	ssyncset.done $0x0  }
0x150: {  	s8 =	rddreg [dreg:$0xf];
	[sflag:s26] =	ssyncadd.s32 $0xFFFFF830  }
0x151: {  	[hbm:s8], [sflag:s3] =	dma.local [spmem:s24], $0xFA  }
0x152: {  	_ =	swait.ge [sflag:s26], $0xFA  }
0x153: {  	s1 =	sadd.s32 $0x1, s1;
	s10 =	rddreg [dreg:$0x1e]  }
0x154: {  	p0 =	sne.s32 s1, s10  }
.Ltmp3:
0x155: {  	_ = 	snop;
	(pc) =	sbr.rel @p0 .LBB2_1-.Ltmp3, $3  }
0x156: {  	_ =	sdelay $0x1  }
0x157: {  	[sflag:s26] =	ssyncset.done $0x0  }
0x158: {  	[sflag:s26] =	ssyncadd.s32 $0xFFFFFF06  }
0x159: {  	_ =	sfence.sel $0x180000  }
0x15a: {  	[bflag:$0x0] =	sbarrier.arrive $0xFFFF  }
0x15b: {  	_ =	strace $0x90000047  }
0x15c: {  	s0 =	stileid.u32;
	[bflag:$0x2] =	sbarrier.arrive $0xFFFF  }
0x15d: {  	p0 =	sne.s32 s0, $0x0;
	s0 =	rddreg [dreg:$0x5]  }
0x15e: {  	s0 =	sadd.s32 @!p0 $0x100000, s0  }
0x15f: {  	[sflag:s0] =	ssyncadd.tile.s32 @!p0 $0x1;
	_ =	shalt  }
.Lfunc_end2:
_tile_overlayer_lowered:
.L_overlay_start_2:
0x160: {  	(tag) =	ssettag $0x2  }
0x161: {  	s0 =	rddreg [dreg:$0x0];
	s2 =	stileid.u32  }
0x162: {  	s1 =	rddreg [dreg:$0x1];
	p0 =	sne.s32 s2, $0x0  }
0x163: {  	s3 =	rddreg [dreg:$0x2];
	[bflag:$0x3] =	sbarrier.arrive $0xFFFF;
	s2 =	simm.s32 @!p0 $0x1C04  }
0x164: {  	[timem:s3], [sflag:s2] =	dma.local @!p0 [hbm:s0], s1  }
0x165: {  	s0 =	simm.s32 @!p0 $0x4  }
0x166: {  	_ =	swait.ge @!p0 [sflag:s0], s1  }
0x167: {  	s1 =	ssub.s32 @!p0 $0x0, s1;
	[sflag:s0] =	ssyncset.done @!p0 $0x0  }
0x168: {  	[sflag:s0] =	ssyncadd.s32 @!p0 s1  }
0x169: {  	[bflag:$0x3] =	sbarrier.arrive $0xFFFF  }
0x16a: {  	_ =	shalt  }

</sc_bundles>
